<compile_context>
chip_gen: v7x
topology: tpu7x:2x2x1
jax: 0.10.2.dev20260603
libtpu: 0.0.44.dev20260713+nightly
codegen_flags: <defaults>
</compile_context>

<pallas_src>
import functools

import jax
import jax.numpy as jnp
from jax import lax
from jax.experimental import pallas as pl
from jax.experimental.pallas import tpu as pltpu
from jax.experimental.pallas import tpu_sc as plsc

N_TOK = 32768
N_CLS = 128
BLK = 1024
N_BLKS = N_TOK // BLK
NVEC_ALL = N_TOK // 16


def _stage1_body(x_ref, t_ref, ce_ref, acc_ref, ces_ref):
    i = pl.program_id(0)
    x = x_ref[0]
    t = t_ref[0]
    m = jnp.max(x, axis=2)
    e = jnp.exp(x - m[:, :, None])
    s = jnp.sum(e, axis=2)
    lse = jnp.log(s) + m
    cls = lax.broadcasted_iota(jnp.int32, (8, 128, N_CLS), 2)
    gold = jnp.sum(jnp.where(cls == t[:, :, None], x, 0.0), axis=2)
    ce = lse - gold
    is_pos = t > 0
    tf = t.astype(jnp.float32)
    pt = jnp.exp(-ce)
    focal = (1.0 - pt) * (1.0 - pt) * ce
    n_pos_blk = jnp.sum(tf)
    s_pos_blk = jnp.sum(jnp.where(is_pos, focal, 0.0))
    s_negall_blk = jnp.sum(jnp.where(is_pos, 0.0, 0.25 * focal))
    ce_neg = jnp.where(is_pos, -1.0, ce)
    ce_ref[0] = ce_neg
    ces_ref[pl.ds(i * 8, 8), :] = ce_neg

    lanes = lax.broadcasted_iota(jnp.int32, (1, 128), 1)
    upd = (jnp.where(lanes == 0, n_pos_blk, 0.0)
           + jnp.where(lanes == 1, s_pos_blk, 0.0)
           + jnp.where(lanes == 2, s_negall_blk, 0.0))

    @pl.when(i == 0)
    def _():
        acc_ref[...] = jnp.zeros_like(acc_ref)

    acc_ref[...] += upd

    @pl.when(i == N_BLKS - 1)
    def _():
        v = ces_ref[...]
        key = jnp.maximum(lax.bitcast_convert_type(v, jnp.int32), 0)
        n_pos = acc_ref[0, 0].astype(jnp.int32)
        n_neg = N_TOK - n_pos
        k = jnp.minimum(n_pos // 4, n_neg)

        def bit_step(j, prefix):
            cand = prefix | (1 << (30 - j))
            cnt = jnp.sum((key >= cand).astype(jnp.int32))
            return jnp.where(cnt >= k, cand, prefix)

        prefix = lax.fori_loop(0, 31, bit_step, jnp.int32(0))
        tau_bits = jnp.where(k > 0, prefix, jnp.int32(0x7F800000))
        tau_f = lax.bitcast_convert_type(tau_bits, jnp.float32)
        acc_ref[...] += (jnp.where(lanes == 3, tau_f, 0.0)
                         + jnp.where(lanes == 4, k.astype(jnp.float32), 0.0))


_sc_mesh = plsc.VectorSubcoreMesh(
    core_axis_name="c", subcore_axis_name="s", num_cores=1)

_GDN = lax.GatherDimensionNumbers(
    offset_dims=(), collapsed_slice_dims=(0,), start_index_map=(0,))


def _take16(v, idx):
    return lax.gather(v, idx[:, None], _GDN, (1,),
                      mode=lax.GatherScatterMode.PROMISE_IN_BOUNDS)


NW = 16
CHUNK = N_TOK // NW


@functools.partial(
    pl.kernel,
    out_type=jax.ShapeDtypeStruct((NW, 16), jnp.float32),
    mesh=_sc_mesh,
    scratch_types=[
        pltpu.VMEM((CHUNK,), jnp.float32),
        pltpu.VMEM((16,), jnp.float32),
        pltpu.VMEM((16,), jnp.float32),
    ],
)
def _stage2_sc(nc_hbm, scal_hbm, out_hbm, vals, scalv, stf):
    sid = lax.axis_index("s")
    pltpu.sync_copy(nc_hbm.at[pl.ds(sid * CHUNK, CHUNK)], vals)
    pltpu.sync_copy(scal_hbm, scalv)
    lanes = lax.iota(jnp.int32, 16)
    sv = scalv[...]
    tau_v = jnp.broadcast_to(sv[3], (16,))
    tau_bits_v = lax.bitcast_convert_type(tau_v, jnp.int32)

    zf = jnp.zeros((16,), jnp.float32)

    def fbody(j, acc2):
        accs, accc = acc2
        for u in range(4):
            v = vals[pl.ds(j * 64 + u * 16, 16)]
            kb = jnp.maximum(lax.bitcast_convert_type(v, jnp.int32), 0)
            gt = kb > tau_bits_v
            e = jnp.exp(-v)
            fl = 0.25 * (1.0 - e) * (1.0 - e) * v
            accs = accs + jnp.where(gt, fl, 0.0)
            accc = accc + jnp.where(gt, 1.0, 0.0)
        return (accs, accc)
    accs, accc = lax.fori_loop(0, CHUNK // 64, fbody, (zf, zf))
    for sh in (8, 4, 2, 1):
        accs = accs + _take16(accs, lanes ^ sh)
        accc = accc + _take16(accc, lanes ^ sh)
    part = jnp.where(lanes == 0, accs, jnp.where(lanes == 1, accc, 0.0))
    stf[...] = part
    pltpu.sync_copy(stf, out_hbm.at[sid])


def _merge_body(scal_ref, part_ref, out_ref):
    s_gt = jnp.float32(0.0)
    cnt_gt = jnp.float32(0.0)
    for t in range(NW):
        s_gt = s_gt + part_ref[t * 16]
        cnt_gt = cnt_gt + part_ref[t * 16 + 1]
    n_pos = scal_ref[0].astype(jnp.int32)
    s_pos = scal_ref[1]
    s_negall = scal_ref[2]
    tau = scal_ref[3]
    k = scal_ref[4].astype(jnp.int32)
    ev = jnp.exp(-tau)
    g_tau = 0.25 * (1.0 - ev) * (1.0 - ev) * tau
    kf = k.astype(jnp.float32)
    s_hard = jnp.where(k > 0, s_gt + (kf - cnt_gt) * g_tau, 0.0)
    n_sel_f = (n_pos + k).astype(jnp.float32)
    sel_mean = (s_pos + s_hard) / jnp.maximum(n_sel_f, 1.0)
    full_mean = (s_pos + s_negall) * jnp.float32(1.0 / N_TOK)
    res = jnp.where(n_pos == 0, full_mean, sel_mean)
    out_ref[...] = jnp.broadcast_to(res, (1, 1))


@jax.jit
def kernel(inputs, targets):
    x4 = inputs.reshape(N_BLKS, 8, 128, N_CLS)
    t3 = targets.reshape(N_BLKS, 8, 128)

    neg_ce, acc = pl.pallas_call(
        _stage1_body,
        grid=(N_BLKS,),
        in_specs=[
            pl.BlockSpec((1, 8, 128, N_CLS), lambda i: (i, 0, 0, 0)),
            pl.BlockSpec((1, 8, 128), lambda i: (i, 0, 0)),
        ],
        out_specs=[
            pl.BlockSpec((1, 8, 128), lambda i: (i, 0, 0)),
            pl.BlockSpec((1, 128), lambda i: (0, 0)),
        ],
        out_shape=[
            jax.ShapeDtypeStruct((N_BLKS, 8, 128), jnp.float32),
            jax.ShapeDtypeStruct((1, 128), jnp.float32),
        ],
        scratch_shapes=[pltpu.VMEM((N_TOK // 128, 128), jnp.float32)],
    )(x4, t3)

    scal16 = acc.reshape(128)[:16]
    nc_flat = neg_ce.reshape(N_TOK)

    parts = _stage2_sc(nc_flat, scal16)

    out = pl.pallas_call(
        _merge_body,
        in_specs=[
            pl.BlockSpec(memory_space=pltpu.SMEM),
            pl.BlockSpec(memory_space=pltpu.SMEM),
        ],
        out_specs=pl.BlockSpec((1, 1), lambda: (0, 0)),
        out_shape=jax.ShapeDtypeStruct((1, 1), jnp.float32),
    )(scal16, parts.reshape(NW * 16))
    return out[0, 0]

# --- scband reference (transcript-rebuilt; emitter-appended) ---
"""Pipeline reference for scband-hard-negative-mining-loss-21371757265291 (READ-ONLY COPY).

The authoritative reference and input builder live on the scoring server;
editing this copy changes nothing except your own understanding.
"""

import jax, jax.numpy as jnp
import numpy as np

GAMMA = 2.0
NEGATIVE_RATIO = 0.25


def _make_alpha(num_classes):
    # alpha = [0.25, 1.0, 1.0, ...] to down-weight the dominant negative class 0
    return jnp.concatenate([jnp.array([0.25], dtype=jnp.float32),
                            jnp.ones((num_classes - 1,), dtype=jnp.float32)])


def _ce(logits, labels):
    # cross_entropy with reduction='none'
    lse = jax.nn.logsumexp(logits, axis=-1)
    gold = jnp.take_along_axis(logits, labels[:, None], axis=1)[:, 0]
    return lse - gold


def _focal_loss_mean(logits, labels, alpha):
    ce = _ce(logits, labels)
    p_t = jnp.exp(-ce)
    focal_term = (1.0 - p_t) ** GAMMA
    fl = focal_term * ce
    alpha_t = jnp.take(alpha, labels, axis=0)
    fl = alpha_t * fl
    return fl.mean()


def setup_inputs(seed: int = 0) -> dict:
    key = jax.random.key(seed)
    k1, k2 = jax.random.split(key)
    inputs = jax.random.normal(k1, (4, 8192, 128), dtype=jnp.float32)
    targets = jax.random.randint(k2, (4, 8192), 0, 2).astype(jnp.int32)
    return {"inputs": inputs, "targets": targets}


def reference(inputs, targets):
    num_classes = inputs.shape[-1]
    x = inputs.reshape(-1, num_classes)
    t = targets.reshape(-1)
    alpha = _make_alpha(num_classes)
    n_total = t.shape[0]

    pos_mask = t > 0
    neg_mask = t == 0
    n_positives = jnp.sum(pos_mask).astype(jnp.int32)
    n_neg = jnp.sum(neg_mask).astype(jnp.int32)

    pos_idx = jnp.nonzero(pos_mask, size=n_total, fill_value=0)[0]
    neg_idx = jnp.nonzero(neg_mask, size=n_total, fill_value=0)[0]

    slots = jnp.arange(n_total)

    # detached hardness scores (torch.no_grad equivalent: eager values, no vjp here)
    neg_losses = _ce(x[neg_idx], t[neg_idx])
    neg_losses = jnp.where(slots < n_neg, neg_losses, -jnp.inf)

    n_hard = jnp.floor(n_positives.astype(jnp.float32) * NEGATIVE_RATIO).astype(jnp.int32)
    n_hard = jnp.minimum(n_hard, n_neg)

    _, hard_local = jax.lax.top_k(neg_losses, n_total)
    hard_global = neg_idx[hard_local]

    shifted = jnp.clip(slots - n_positives, 0, n_total - 1)
    comb_idx = jnp.where(slots < n_positives, pos_idx, hard_global[shifted])
    n_sel = n_positives + n_hard
    valid = slots < n_sel

    xs = x[comb_idx]
    ts = t[comb_idx]
    ce = _ce(xs, ts)
    p_t = jnp.exp(-ce)
    focal_term = (1.0 - p_t) ** GAMMA
    fl = focal_term * ce
    alpha_t = jnp.take(alpha, ts, axis=0)
    fl = alpha_t * fl
    sel_mean = jnp.sum(jnp.where(valid, fl, 0.0)) / jnp.maximum(n_sel, 1).astype(fl.dtype)

    full_mean = _focal_loss_mean(x, t, alpha)
    return jnp.where(n_positives == 0, full_mean, sel_mean)

if __name__ == "__main__":
    import jax
    _d = setup_inputs()
    print(jax.jit(kernel)(*tuple(_d.values())))

</pallas_src>

<mosaic_0001>
#map = affine_map<(d0, d1) -> (0)>
#map1 = affine_map<(d0, d1) -> (0, 0)>
module attributes {stable_mosaic.version = 14 : i64} {
  func.func @_stage2_sc(%arg0: i32, %arg1: i32, %arg2: memref<32768xf32, #tpu.memory_space<hbm>>, %arg3: memref<16xf32, #tpu.memory_space<hbm>>, %arg4: memref<16x16xf32, #tpu.memory_space<hbm>>, %arg5: memref<2048xf32, #tpu.memory_space<vmem>>, %arg6: memref<16xf32, #tpu.memory_space<vmem>>, %arg7: memref<16xf32, #tpu.memory_space<vmem>>) attributes {dimension_semantics = [#tpu.dimension_semantics<core_parallel>, #tpu.dimension_semantics<subcore_parallel>], iteration_bounds = array<i64: 1, 16>, scalar_prefetch = 0 : i64, scratch_operands = 3 : i64, tpu.core_type = #tpu.core_type<sc_vector_subcore>, window_params = [{transform_indices = #map}, {transform_indices = #map}, {transform_indices = #map1}]} {
    %mul3A = arith.constant 2048 : i32
    %mul3A_0 = arith.muli %arg1, %mul3A : i32
    "tpu.region"() ({
      %run_scoped3A = tpu.sem_alloc : memref<!tpu.dma_semaphore, #tpu.memory_space<semaphore_mem>>
      %dma_start3A = tpu.memref_slice %arg2[%mul3A_0] : memref<32768xf32, #tpu.memory_space<hbm>> -> memref<2048xf32, #tpu.memory_space<hbm>>
      %dma_start3A_73 = tpu.memref_slice %arg2[%mul3A_0] : memref<32768xf32, #tpu.memory_space<hbm>> -> memref<2048xf32, #tpu.memory_space<hbm>>
      tpu.enqueue_dma source(%dma_start3A_73 : memref<2048xf32, #tpu.memory_space<hbm>>) target(%arg5 : memref<2048xf32, #tpu.memory_space<vmem>>) target_semaphore(%run_scoped3A : memref<!tpu.dma_semaphore, #tpu.memory_space<semaphore_mem>>)
      %dma_wait3A = tpu.memref_slice %arg2[%mul3A_0] : memref<32768xf32, #tpu.memory_space<hbm>> -> memref<2048xf32, #tpu.memory_space<hbm>>
      %dma_wait3A_74 = tpu.memref_slice %arg2[%mul3A_0] : memref<32768xf32, #tpu.memory_space<hbm>> -> memref<2048xf32, #tpu.memory_space<hbm>>
      tpu.wait_dma2 semaphore(%run_scoped3A : memref<!tpu.dma_semaphore, #tpu.memory_space<semaphore_mem>>) src(%dma_wait3A_74 : memref<2048xf32, #tpu.memory_space<hbm>>) dst(%arg5 : memref<2048xf32, #tpu.memory_space<vmem>>)
      tpu.yield
    }) : () -> ()
    "tpu.region"() ({
      %run_scoped3A = tpu.sem_alloc : memref<!tpu.dma_semaphore, #tpu.memory_space<semaphore_mem>>
      tpu.enqueue_dma source(%arg3 : memref<16xf32, #tpu.memory_space<hbm>>) target(%arg6 : memref<16xf32, #tpu.memory_space<vmem>>) target_semaphore(%run_scoped3A : memref<!tpu.dma_semaphore, #tpu.memory_space<semaphore_mem>>)
      tpu.wait_dma2 semaphore(%run_scoped3A : memref<!tpu.dma_semaphore, #tpu.memory_space<semaphore_mem>>) src(%arg3 : memref<16xf32, #tpu.memory_space<hbm>>) dst(%arg6 : memref<16xf32, #tpu.memory_space<vmem>>)
      tpu.yield
    }) : () -> ()
    %iota3A = tpu.iota {dimensions = array<i32: 0>} : vector<16xi32>
    %get3A = arith.constant 0 : index
    %get3A_1 = tpu.vector_load %arg6[%get3A] {strides = array<i32>} : memref<16xf32, #tpu.memory_space<vmem>>, vector<16xf32>,
    %get3A_2 = vector.shape_cast %get3A_1 : vector<16xf32> to vector<16xf32>
    %slice3A = vector.extract_strided_slice %get3A_2 {offsets = [3], sizes = [1], strides = [1]} : vector<16xf32> to vector<1xf32>
    %squeeze3A = vector.extract %slice3A[0] : f32 from vector<1xf32>
    %broadcast_in_dim3A = vector.broadcast %squeeze3A : f32 to vector<16xf32>
    %bitcast_convert_type3A = tpu.bitcast %broadcast_in_dim3A : vector<16xf32> -> vector<16xi32>
    %broadcast_in_dim3A_3 = arith.constant 0.000000e+00 : f32
    %broadcast_in_dim3A_4 = vector.broadcast %broadcast_in_dim3A_3 : f32 to vector<16xf32>
    %scan3A = arith.constant 0 : i32
    %scan3A_5 = arith.constant 32 : i32
    %scan3A_6 = arith.addi %scan3A, %scan3A_5 : i32
    %scan3A_7 = arith.constant 1 : i32
    %scan3A_8:2 = scf.for %scan3A_73 = %scan3A to %scan3A_6 step %scan3A_7 iter_args(%scan3A_74 = %broadcast_in_dim3A_4, %scan3A_75 = %broadcast_in_dim3A_4) -> (vector<16xf32>, vector<16xf32>)  : i32 {
      %mul3A_76 = arith.constant 64 : i32
      %mul3A_77 = arith.muli %scan3A_73, %mul3A_76 : i32
      %add3A_78 = arith.constant 0 : i32
      %add3A_79 = arith.addi %mul3A_77, %add3A_78 : i32
      %get3A_80 = arith.index_cast %add3A_79 : i32 to index
      %get3A_81 = tpu.vector_load %arg5[%get3A_80] {strides = array<i32>} : memref<2048xf32, #tpu.memory_space<vmem>>, vector<16xf32>,
      %get3A_82 = vector.shape_cast %get3A_81 : vector<16xf32> to vector<16xf32>
      %bitcast_convert_type3A_83 = tpu.bitcast %get3A_82 : vector<16xf32> -> vector<16xi32>
      %max3A = arith.constant 0 : i32
      %max3A_84 = vector.broadcast %max3A : i32 to vector<16xi32>
      %max3A_85 = arith.maxsi %bitcast_convert_type3A_83, %max3A_84 : vector<16xi32>
      %gt3A = arith.cmpi sgt, %max3A_85, %bitcast_convert_type3A : vector<16xi32>
      %neg3A = arith.constant 0.000000e+00 : f32
      %neg3A_86 = vector.broadcast %neg3A : f32 to vector<16xf32>
      %neg3A_87 = arith.subf %neg3A_86, %get3A_82 : vector<16xf32>
      %exp3A = math.exp %neg3A_87 : vector<16xf32>
      %sub3A = arith.constant 1.000000e+00 : f32
      %sub3A_88 = vector.broadcast %sub3A : f32 to vector<16xf32>
      %sub3A_89 = arith.subf %sub3A_88, %exp3A : vector<16xf32>
      %mul3A_90 = arith.constant 2.500000e-01 : f32
      %mul3A_91 = vector.broadcast %mul3A_90 : f32 to vector<16xf32>
      %mul3A_92 = arith.mulf %mul3A_91, %sub3A_89 : vector<16xf32>
      %sub3A_93 = arith.constant 1.000000e+00 : f32
      %sub3A_94 = vector.broadcast %sub3A_93 : f32 to vector<16xf32>
      %sub3A_95 = arith.subf %sub3A_94, %exp3A : vector<16xf32>
      %mul3A_96 = arith.mulf %mul3A_92, %sub3A_95 : vector<16xf32>
      %mul3A_97 = arith.mulf %mul3A_96, %get3A_82 : vector<16xf32>
      %jit3A_98 = arith.constant 0.000000e+00 : f32
      %broadcast_in_dim3A_99 = vector.broadcast %jit3A_98 : f32 to vector<16xf32>
      %select_n3A_100 = arith.select %gt3A, %mul3A_97, %broadcast_in_dim3A_99 : vector<16xi1>, vector<16xf32>
      %add3A_101 = arith.addf %scan3A_74, %select_n3A_100 : vector<16xf32>
      %jit3A_102 = arith.constant 1.000000e+00 : f32
      %jit3A_103 = arith.constant 0.000000e+00 : f32
      %broadcast_in_dim3A_104 = vector.broadcast %jit3A_102 : f32 to vector<16xf32>
      %broadcast_in_dim3A_105 = vector.broadcast %jit3A_103 : f32 to vector<16xf32>
      %select_n3A_106 = arith.select %gt3A, %broadcast_in_dim3A_104, %broadcast_in_dim3A_105 : vector<16xi1>, vector<16xf32>
      %add3A_107 = arith.addf %scan3A_75, %select_n3A_106 : vector<16xf32>
      %mul3A_108 = arith.constant 64 : i32
      %mul3A_109 = arith.muli %scan3A_73, %mul3A_108 : i32
      %add3A_110 = arith.constant 16 : i32
      %add3A_111 = arith.addi %mul3A_109, %add3A_110 : i32
      %get3A_112 = arith.index_cast %add3A_111 : i32 to index
      %get3A_113 = tpu.vector_load %arg5[%get3A_112] {strides = array<i32>} : memref<2048xf32, #tpu.memory_space<vmem>>, vector<16xf32>,
      %get3A_114 = vector.shape_cast %get3A_113 : vector<16xf32> to vector<16xf32>
      %bitcast_convert_type3A_115 = tpu.bitcast %get3A_114 : vector<16xf32> -> vector<16xi32>
      %max3A_116 = arith.constant 0 : i32
      %max3A_117 = vector.broadcast %max3A_116 : i32 to vector<16xi32>
      %max3A_118 = arith.maxsi %bitcast_convert_type3A_115, %max3A_117 : vector<16xi32>
      %gt3A_119 = arith.cmpi sgt, %max3A_118, %bitcast_convert_type3A : vector<16xi32>
      %neg3A_120 = arith.constant 0.000000e+00 : f32
      %neg3A_121 = vector.broadcast %neg3A_120 : f32 to vector<16xf32>
      %neg3A_122 = arith.subf %neg3A_121, %get3A_114 : vector<16xf32>
      %exp3A_123 = math.exp %neg3A_122 : vector<16xf32>
      %sub3A_124 = arith.constant 1.000000e+00 : f32
      %sub3A_125 = vector.broadcast %sub3A_124 : f32 to vector<16xf32>
      %sub3A_126 = arith.subf %sub3A_125, %exp3A_123 : vector<16xf32>
      %mul3A_127 = arith.constant 2.500000e-01 : f32
      %mul3A_128 = vector.broadcast %mul3A_127 : f32 to vector<16xf32>
      %mul3A_129 = arith.mulf %mul3A_128, %sub3A_126 : vector<16xf32>
      %sub3A_130 = arith.constant 1.000000e+00 : f32
      %sub3A_131 = vector.broadcast %sub3A_130 : f32 to vector<16xf32>
      %sub3A_132 = arith.subf %sub3A_131, %exp3A_123 : vector<16xf32>
      %mul3A_133 = arith.mulf %mul3A_129, %sub3A_132 : vector<16xf32>
      %mul3A_134 = arith.mulf %mul3A_133, %get3A_114 : vector<16xf32>
      %jit3A_135 = arith.constant 0.000000e+00 : f32
      %broadcast_in_dim3A_136 = vector.broadcast %jit3A_135 : f32 to vector<16xf32>
      %select_n3A_137 = arith.select %gt3A_119, %mul3A_134, %broadcast_in_dim3A_136 : vector<16xi1>, vector<16xf32>
      %add3A_138 = arith.addf %add3A_101, %select_n3A_137 : vector<16xf32>
      %jit3A_139 = arith.constant 1.000000e+00 : f32
      %jit3A_140 = arith.constant 0.000000e+00 : f32
      %broadcast_in_dim3A_141 = vector.broadcast %jit3A_139 : f32 to vector<16xf32>
      %broadcast_in_dim3A_142 = vector.broadcast %jit3A_140 : f32 to vector<16xf32>
      %select_n3A_143 = arith.select %gt3A_119, %broadcast_in_dim3A_141, %broadcast_in_dim3A_142 : vector<16xi1>, vector<16xf32>
      %add3A_144 = arith.addf %add3A_107, %select_n3A_143 : vector<16xf32>
      %mul3A_145 = arith.constant 64 : i32
      %mul3A_146 = arith.muli %scan3A_73, %mul3A_145 : i32
      %add3A_147 = arith.constant 32 : i32
      %add3A_148 = arith.addi %mul3A_146, %add3A_147 : i32
      %get3A_149 = arith.index_cast %add3A_148 : i32 to index
      %get3A_150 = tpu.vector_load %arg5[%get3A_149] {strides = array<i32>} : memref<2048xf32, #tpu.memory_space<vmem>>, vector<16xf32>,
      %get3A_151 = vector.shape_cast %get3A_150 : vector<16xf32> to vector<16xf32>
      %bitcast_convert_type3A_152 = tpu.bitcast %get3A_151 : vector<16xf32> -> vector<16xi32>
      %max3A_153 = arith.constant 0 : i32
      %max3A_154 = vector.broadcast %max3A_153 : i32 to vector<16xi32>
      %max3A_155 = arith.maxsi %bitcast_convert_type3A_152, %max3A_154 : vector<16xi32>
      %gt3A_156 = arith.cmpi sgt, %max3A_155, %bitcast_convert_type3A : vector<16xi32>
      %neg3A_157 = arith.constant 0.000000e+00 : f32
      %neg3A_158 = vector.broadcast %neg3A_157 : f32 to vector<16xf32>
      %neg3A_159 = arith.subf %neg3A_158, %get3A_151 : vector<16xf32>
      %exp3A_160 = math.exp %neg3A_159 : vector<16xf32>
      %sub3A_161 = arith.constant 1.000000e+00 : f32
      %sub3A_162 = vector.broadcast %sub3A_161 : f32 to vector<16xf32>
      %sub3A_163 = arith.subf %sub3A_162, %exp3A_160 : vector<16xf32>
      %mul3A_164 = arith.constant 2.500000e-01 : f32
      %mul3A_165 = vector.broadcast %mul3A_164 : f32 to vector<16xf32>
      %mul3A_166 = arith.mulf %mul3A_165, %sub3A_163 : vector<16xf32>
      %sub3A_167 = arith.constant 1.000000e+00 : f32
      %sub3A_168 = vector.broadcast %sub3A_167 : f32 to vector<16xf32>
      %sub3A_169 = arith.subf %sub3A_168, %exp3A_160 : vector<16xf32>
      %mul3A_170 = arith.mulf %mul3A_166, %sub3A_169 : vector<16xf32>
      %mul3A_171 = arith.mulf %mul3A_170, %get3A_151 : vector<16xf32>
      %jit3A_172 = arith.constant 0.000000e+00 : f32
      %broadcast_in_dim3A_173 = vector.broadcast %jit3A_172 : f32 to vector<16xf32>
      %select_n3A_174 = arith.select %gt3A_156, %mul3A_171, %broadcast_in_dim3A_173 : vector<16xi1>, vector<16xf32>
      %add3A_175 = arith.addf %add3A_138, %select_n3A_174 : vector<16xf32>
      %jit3A_176 = arith.constant 1.000000e+00 : f32
      %jit3A_177 = arith.constant 0.000000e+00 : f32
      %broadcast_in_dim3A_178 = vector.broadcast %jit3A_176 : f32 to vector<16xf32>
      %broadcast_in_dim3A_179 = vector.broadcast %jit3A_177 : f32 to vector<16xf32>
      %select_n3A_180 = arith.select %gt3A_156, %broadcast_in_dim3A_178, %broadcast_in_dim3A_179 : vector<16xi1>, vector<16xf32>
      %add3A_181 = arith.addf %add3A_144, %select_n3A_180 : vector<16xf32>
      %mul3A_182 = arith.constant 64 : i32
      %mul3A_183 = arith.muli %scan3A_73, %mul3A_182 : i32
      %add3A_184 = arith.constant 48 : i32
      %add3A_185 = arith.addi %mul3A_183, %add3A_184 : i32
      %get3A_186 = arith.index_cast %add3A_185 : i32 to index
      %get3A_187 = tpu.vector_load %arg5[%get3A_186] {strides = array<i32>} : memref<2048xf32, #tpu.memory_space<vmem>>, vector<16xf32>,
      %get3A_188 = vector.shape_cast %get3A_187 : vector<16xf32> to vector<16xf32>
      %bitcast_convert_type3A_189 = tpu.bitcast %get3A_188 : vector<16xf32> -> vector<16xi32>
      %max3A_190 = arith.constant 0 : i32
      %max3A_191 = vector.broadcast %max3A_190 : i32 to vector<16xi32>
      %max3A_192 = arith.maxsi %bitcast_convert_type3A_189, %max3A_191 : vector<16xi32>
      %gt3A_193 = arith.cmpi sgt, %max3A_192, %bitcast_convert_type3A : vector<16xi32>
      %neg3A_194 = arith.constant 0.000000e+00 : f32
      %neg3A_195 = vector.broadcast %neg3A_194 : f32 to vector<16xf32>
      %neg3A_196 = arith.subf %neg3A_195, %get3A_188 : vector<16xf32>
      %exp3A_197 = math.exp %neg3A_196 : vector<16xf32>
      %sub3A_198 = arith.constant 1.000000e+00 : f32
      %sub3A_199 = vector.broadcast %sub3A_198 : f32 to vector<16xf32>
      %sub3A_200 = arith.subf %sub3A_199, %exp3A_197 : vector<16xf32>
      %mul3A_201 = arith.constant 2.500000e-01 : f32
      %mul3A_202 = vector.broadcast %mul3A_201 : f32 to vector<16xf32>
      %mul3A_203 = arith.mulf %mul3A_202, %sub3A_200 : vector<16xf32>
      %sub3A_204 = arith.constant 1.000000e+00 : f32
      %sub3A_205 = vector.broadcast %sub3A_204 : f32 to vector<16xf32>
      %sub3A_206 = arith.subf %sub3A_205, %exp3A_197 : vector<16xf32>
      %mul3A_207 = arith.mulf %mul3A_203, %sub3A_206 : vector<16xf32>
      %mul3A_208 = arith.mulf %mul3A_207, %get3A_188 : vector<16xf32>
      %jit3A_209 = arith.constant 0.000000e+00 : f32
      %broadcast_in_dim3A_210 = vector.broadcast %jit3A_209 : f32 to vector<16xf32>
      %select_n3A_211 = arith.select %gt3A_193, %mul3A_208, %broadcast_in_dim3A_210 : vector<16xi1>, vector<16xf32>
      %add3A_212 = arith.addf %add3A_175, %select_n3A_211 : vector<16xf32>
      %jit3A_213 = arith.constant 1.000000e+00 : f32
      %jit3A_214 = arith.constant 0.000000e+00 : f32
      %broadcast_in_dim3A_215 = vector.broadcast %jit3A_213 : f32 to vector<16xf32>
      %broadcast_in_dim3A_216 = vector.broadcast %jit3A_214 : f32 to vector<16xf32>
      %select_n3A_217 = arith.select %gt3A_193, %broadcast_in_dim3A_215, %broadcast_in_dim3A_216 : vector<16xi1>, vector<16xf32>
      %add3A_218 = arith.addf %add3A_181, %select_n3A_217 : vector<16xf32>
      scf.yield %add3A_212, %add3A_218 : vector<16xf32>, vector<16xf32>
    }
    %scan3A_9 = arith.constant 32 : i32
    %xor3A = arith.constant 8 : i32
    %xor3A_10 = vector.broadcast %xor3A : i32 to vector<16xi32>
    %xor3A_11 = arith.xori %iota3A, %xor3A_10 : vector<16xi32>
    %broadcast_in_dim3A_12 = vector.shape_cast %xor3A_11 : vector<16xi32> to vector<16x1xi32>
    %gather3A = vector.shape_cast %broadcast_in_dim3A_12 : vector<16x1xi32> to vector<16xi32>
    %gather3A_13 = tpu.dynamic_gather %scan3A_8#0[%gather3A] in [0] : vector<16xf32>, vector<16xi32> -> vector<16xf32>
    %add3A = arith.addf %scan3A_8#0, %gather3A_13 : vector<16xf32>
    %xor3A_14 = arith.constant 8 : i32
    %xor3A_15 = vector.broadcast %xor3A_14 : i32 to vector<16xi32>
    %xor3A_16 = arith.xori %iota3A, %xor3A_15 : vector<16xi32>
    %broadcast_in_dim3A_17 = vector.shape_cast %xor3A_16 : vector<16xi32> to vector<16x1xi32>
    %gather3A_18 = vector.shape_cast %broadcast_in_dim3A_17 : vector<16x1xi32> to vector<16xi32>
    %gather3A_19 = tpu.dynamic_gather %scan3A_8#1[%gather3A_18] in [0] : vector<16xf32>, vector<16xi32> -> vector<16xf32>
    %add3A_20 = arith.addf %scan3A_8#1, %gather3A_19 : vector<16xf32>
    %xor3A_21 = arith.constant 4 : i32
    %xor3A_22 = vector.broadcast %xor3A_21 : i32 to vector<16xi32>
    %xor3A_23 = arith.xori %iota3A, %xor3A_22 : vector<16xi32>
    %broadcast_in_dim3A_24 = vector.shape_cast %xor3A_23 : vector<16xi32> to vector<16x1xi32>
    %gather3A_25 = vector.shape_cast %broadcast_in_dim3A_24 : vector<16x1xi32> to vector<16xi32>
    %gather3A_26 = tpu.dynamic_gather %add3A[%gather3A_25] in [0] : vector<16xf32>, vector<16xi32> -> vector<16xf32>
    %add3A_27 = arith.addf %add3A, %gather3A_26 : vector<16xf32>
    %xor3A_28 = arith.constant 4 : i32
    %xor3A_29 = vector.broadcast %xor3A_28 : i32 to vector<16xi32>
    %xor3A_30 = arith.xori %iota3A, %xor3A_29 : vector<16xi32>
    %broadcast_in_dim3A_31 = vector.shape_cast %xor3A_30 : vector<16xi32> to vector<16x1xi32>
    %gather3A_32 = vector.shape_cast %broadcast_in_dim3A_31 : vector<16x1xi32> to vector<16xi32>
    %gather3A_33 = tpu.dynamic_gather %add3A_20[%gather3A_32] in [0] : vector<16xf32>, vector<16xi32> -> vector<16xf32>
    %add3A_34 = arith.addf %add3A_20, %gather3A_33 : vector<16xf32>
    %xor3A_35 = arith.constant 2 : i32
    %xor3A_36 = vector.broadcast %xor3A_35 : i32 to vector<16xi32>
    %xor3A_37 = arith.xori %iota3A, %xor3A_36 : vector<16xi32>
    %broadcast_in_dim3A_38 = vector.shape_cast %xor3A_37 : vector<16xi32> to vector<16x1xi32>
    %gather3A_39 = vector.shape_cast %broadcast_in_dim3A_38 : vector<16x1xi32> to vector<16xi32>
    %gather3A_40 = tpu.dynamic_gather %add3A_27[%gather3A_39] in [0] : vector<16xf32>, vector<16xi32> -> vector<16xf32>
    %add3A_41 = arith.addf %add3A_27, %gather3A_40 : vector<16xf32>
    %xor3A_42 = arith.constant 2 : i32
    %xor3A_43 = vector.broadcast %xor3A_42 : i32 to vector<16xi32>
    %xor3A_44 = arith.xori %iota3A, %xor3A_43 : vector<16xi32>
    %broadcast_in_dim3A_45 = vector.shape_cast %xor3A_44 : vector<16xi32> to vector<16x1xi32>
    %gather3A_46 = vector.shape_cast %broadcast_in_dim3A_45 : vector<16x1xi32> to vector<16xi32>
    %gather3A_47 = tpu.dynamic_gather %add3A_34[%gather3A_46] in [0] : vector<16xf32>, vector<16xi32> -> vector<16xf32>
    %add3A_48 = arith.addf %add3A_34, %gather3A_47 : vector<16xf32>
    %xor3A_49 = arith.constant 1 : i32
    %xor3A_50 = vector.broadcast %xor3A_49 : i32 to vector<16xi32>
    %xor3A_51 = arith.xori %iota3A, %xor3A_50 : vector<16xi32>
    %broadcast_in_dim3A_52 = vector.shape_cast %xor3A_51 : vector<16xi32> to vector<16x1xi32>
    %gather3A_53 = vector.shape_cast %broadcast_in_dim3A_52 : vector<16x1xi32> to vector<16xi32>
    %gather3A_54 = tpu.dynamic_gather %add3A_41[%gather3A_53] in [0] : vector<16xf32>, vector<16xi32> -> vector<16xf32>
    %add3A_55 = arith.addf %add3A_41, %gather3A_54 : vector<16xf32>
    %xor3A_56 = arith.constant 1 : i32
    %xor3A_57 = vector.broadcast %xor3A_56 : i32 to vector<16xi32>
    %xor3A_58 = arith.xori %iota3A, %xor3A_57 : vector<16xi32>
    %broadcast_in_dim3A_59 = vector.shape_cast %xor3A_58 : vector<16xi32> to vector<16x1xi32>
    %gather3A_60 = vector.shape_cast %broadcast_in_dim3A_59 : vector<16x1xi32> to vector<16xi32>
    %gather3A_61 = tpu.dynamic_gather %add3A_48[%gather3A_60] in [0] : vector<16xf32>, vector<16xi32> -> vector<16xf32>
    %add3A_62 = arith.addf %add3A_48, %gather3A_61 : vector<16xf32>
    %eq3A = arith.constant 0 : i32
    %eq3A_63 = vector.broadcast %eq3A : i32 to vector<16xi32>
    %eq3A_64 = arith.cmpi eq, %iota3A, %eq3A_63 : vector<16xi32>
    %eq3A_65 = arith.constant 1 : i32
    %eq3A_66 = vector.broadcast %eq3A_65 : i32 to vector<16xi32>
    %eq3A_67 = arith.cmpi eq, %iota3A, %eq3A_66 : vector<16xi32>
    %jit3A = arith.constant 0.000000e+00 : f32
    %broadcast_in_dim3A_68 = vector.broadcast %jit3A : f32 to vector<16xf32>
    %select_n3A = arith.select %eq3A_67, %add3A_62, %broadcast_in_dim3A_68 : vector<16xi1>, vector<16xf32>
    %select_n3A_69 = arith.select %eq3A_64, %add3A_55, %select_n3A : vector<16xi1>, vector<16xf32>
    %swap3A = arith.constant 0 : index
    %swap3A_70 = tpu.vector_load %arg7[%swap3A] {strides = array<i32>} : memref<16xf32, #tpu.memory_space<vmem>>, vector<16xf32>,
    %swap3A_71 = vector.shape_cast %swap3A_70 : vector<16xf32> to vector<16xf32>
    %swap3A_72 = vector.shape_cast %select_n3A_69 : vector<16xf32> to vector<16xf32>
    tpu.vector_store %arg7[%swap3A], %swap3A_72 {strides = array<i32>} : memref<16xf32, #tpu.memory_space<vmem>>, vector<16xf32>,
    "tpu.region"() ({
      %run_scoped3A = tpu.sem_alloc : memref<!tpu.dma_semaphore, #tpu.memory_space<semaphore_mem>>
      %dma_start3A = arith.constant 0 : i32
      %dma_start3A_73 = tpu.memref_slice %arg4[%arg1, %dma_start3A] : memref<16x16xf32, #tpu.memory_space<hbm>> -> memref<1x16xf32, #tpu.memory_space<hbm>>
      %dma_start3A_74 = tpu.memref_squeeze %dma_start3A_73 : memref<1x16xf32, #tpu.memory_space<hbm>> -> memref<16xf32, #tpu.memory_space<hbm>>
      %dma_start3A_75 = arith.constant 0 : i32
      %dma_start3A_76 = tpu.memref_slice %arg4[%arg1, %dma_start3A_75] : memref<16x16xf32, #tpu.memory_space<hbm>> -> memref<1x16xf32, #tpu.memory_space<hbm>>
      %dma_start3A_77 = tpu.memref_squeeze %dma_start3A_76 : memref<1x16xf32, #tpu.memory_space<hbm>> -> memref<16xf32, #tpu.memory_space<hbm>>
      tpu.enqueue_dma source(%arg7 : memref<16xf32, #tpu.memory_space<vmem>>) target(%dma_start3A_77 : memref<16xf32, #tpu.memory_space<hbm>>) target_semaphore(%run_scoped3A : memref<!tpu.dma_semaphore, #tpu.memory_space<semaphore_mem>>)
      %dma_wait3A = arith.constant 0 : i32
      %dma_wait3A_78 = tpu.memref_slice %arg4[%arg1, %dma_wait3A] : memref<16x16xf32, #tpu.memory_space<hbm>> -> memref<1x16xf32, #tpu.memory_space<hbm>>
      %dma_wait3A_79 = tpu.memref_squeeze %dma_wait3A_78 : memref<1x16xf32, #tpu.memory_space<hbm>> -> memref<16xf32, #tpu.memory_space<hbm>>
      %dma_wait3A_80 = arith.constant 0 : i32
      %dma_wait3A_81 = tpu.memref_slice %arg4[%arg1, %dma_wait3A_80] : memref<16x16xf32, #tpu.memory_space<hbm>> -> memref<1x16xf32, #tpu.memory_space<hbm>>
      %dma_wait3A_82 = tpu.memref_squeeze %dma_wait3A_81 : memref<1x16xf32, #tpu.memory_space<hbm>> -> memref<16xf32, #tpu.memory_space<hbm>>
      tpu.wait_dma2 semaphore(%run_scoped3A : memref<!tpu.dma_semaphore, #tpu.memory_space<semaphore_mem>>) src(%arg7 : memref<16xf32, #tpu.memory_space<vmem>>) dst(%dma_wait3A_82 : memref<16xf32, #tpu.memory_space<hbm>>)
      tpu.yield
    }) : () -> ()
    return
  }
}

module attributes {stable_mosaic.version = 14 : i64} {
  func.func @_stage1_body(%arg0: i32, %arg1: memref<1x8x128x128xf32, #tpu.memory_space<vmem>>, %arg2: memref<1x8x128xi32, #tpu.memory_space<vmem>>, %arg3: memref<1x8x128xf32, #tpu.memory_space<vmem>>, %arg4: memref<1x128xf32, #tpu.memory_space<vmem>>, %arg5: memref<256x128xf32, #tpu.memory_space<vmem>>) attributes {dimension_semantics = [#tpu.dimension_semantics<arbitrary>], iteration_bounds = array<i64: 32>, scalar_prefetch = 0 : i64, scratch_operands = 1 : i64, tpu.core_type = #tpu.core_type<tc>, window_params = [{transform_indices = @transform_0, window_bounds = array<i64: 1, 8, 128, 128>}, {transform_indices = @transform_1, window_bounds = array<i64: 1, 8, 128>}, {transform_indices = @transform_2, window_bounds = array<i64: 1, 8, 128>}, {pipeline_mode = #tpu.pipeline_mode<synchronous>, transform_indices = @transform_3, window_bounds = array<i64: 1, 128>}]} {
    %get3A = arith.constant 0 : index
    %get3A_0 = arith.constant 0 : index
    %get3A_1 = arith.constant 0 : index
    %get3A_2 = arith.constant 0 : index
    %get3A_3 = vector.load %arg1[%get3A, %get3A_0, %get3A_1, %get3A_2] : memref<1x8x128x128xf32, #tpu.memory_space<vmem>>, vector<1x8x128x128xf32>
    %get3A_4 = vector.shape_cast %get3A_3 : vector<1x8x128x128xf32> to vector<8x128x128xf32>
    %get3A_5 = arith.constant 0 : index
    %get3A_6 = arith.constant 0 : index
    %get3A_7 = arith.constant 0 : index
    %get3A_8 = vector.load %arg2[%get3A_5, %get3A_6, %get3A_7] : memref<1x8x128xi32, #tpu.memory_space<vmem>>, vector<1x8x128xi32>
    %get3A_9 = vector.shape_cast %get3A_8 : vector<1x8x128xi32> to vector<8x128xi32>
    %reduce_max3A = arith.constant dense<0xFF800000> : vector<8x128xf32>
    %reduce_max3A_10 = vector.multi_reduction <maximumf>, %get3A_4, %reduce_max3A [2] : vector<8x128x128xf32> to vector<8x128xf32>
    %broadcast_in_dim3A = vector.shape_cast %reduce_max3A_10 : vector<8x128xf32> to vector<8x128x1xf32>
    %sub3A = vector.broadcast %broadcast_in_dim3A : vector<8x128x1xf32> to vector<8x128x128xf32>
    %sub3A_11 = arith.subf %get3A_4, %sub3A : vector<8x128x128xf32>
    %exp3A = math.exp %sub3A_11 : vector<8x128x128xf32>
    %reduce_sum3A = arith.constant dense<0.000000e+00> : vector<8x128xf32>
    %reduce_sum3A_12 = vector.multi_reduction <add>, %exp3A, %reduce_sum3A [2] : vector<8x128x128xf32> to vector<8x128xf32>
    %log3A = math.log %reduce_sum3A_12 : vector<8x128xf32>
    %add3A = arith.addf %log3A, %reduce_max3A_10 : vector<8x128xf32>
    %iota3A = tpu.iota {dimensions = array<i32: 2>} : vector<8x128x128xi32>
    %broadcast_in_dim3A_13 = vector.shape_cast %get3A_9 : vector<8x128xi32> to vector<8x128x1xi32>
    %eq3A = vector.broadcast %broadcast_in_dim3A_13 : vector<8x128x1xi32> to vector<8x128x128xi32>
    %eq3A_14 = arith.cmpi eq, %iota3A, %eq3A : vector<8x128x128xi32>
    %jit3A = arith.constant 0.000000e+00 : f32
    %broadcast_in_dim3A_15 = vector.broadcast %jit3A : f32 to vector<8x128x128xf32>
    %select_n3A = arith.select %eq3A_14, %get3A_4, %broadcast_in_dim3A_15 : vector<8x128x128xi1>, vector<8x128x128xf32>
    %reduce_sum3A_16 = arith.constant dense<0.000000e+00> : vector<8x128xf32>
    %reduce_sum3A_17 = vector.multi_reduction <add>, %select_n3A, %reduce_sum3A_16 [2] : vector<8x128x128xf32> to vector<8x128xf32>
    %sub3A_18 = arith.subf %add3A, %reduce_sum3A_17 : vector<8x128xf32>
    %gt3A = arith.constant 0 : i32
    %gt3A_19 = vector.broadcast %gt3A : i32 to vector<8x128xi32>
    %gt3A_20 = arith.cmpi sgt, %get3A_9, %gt3A_19 : vector<8x128xi32>
    %convert_element_type3A = arith.sitofp %get3A_9 : vector<8x128xi32> to vector<8x128xf32>
    %neg3A = arith.constant 0.000000e+00 : f32
    %neg3A_21 = vector.broadcast %neg3A : f32 to vector<8x128xf32>
    %neg3A_22 = arith.subf %neg3A_21, %sub3A_18 : vector<8x128xf32>
    %exp3A_23 = math.exp %neg3A_22 : vector<8x128xf32>
    %sub3A_24 = arith.constant 1.000000e+00 : f32
    %sub3A_25 = vector.broadcast %sub3A_24 : f32 to vector<8x128xf32>
    %sub3A_26 = arith.subf %sub3A_25, %exp3A_23 : vector<8x128xf32>
    %sub3A_27 = arith.constant 1.000000e+00 : f32
    %sub3A_28 = vector.broadcast %sub3A_27 : f32 to vector<8x128xf32>
    %sub3A_29 = arith.subf %sub3A_28, %exp3A_23 : vector<8x128xf32>
    %mul3A = arith.mulf %sub3A_26, %sub3A_29 : vector<8x128xf32>
    %mul3A_30 = arith.mulf %mul3A, %sub3A_18 : vector<8x128xf32>
    %reduce_sum3A_31 = vector.shape_cast %convert_element_type3A : vector<8x128xf32> to vector<1x8x128xf32>
    %reduce_sum3A_32 = arith.constant dense<0.000000e+00> : vector<1xf32>
    %reduce_sum3A_33 = vector.multi_reduction <add>, %reduce_sum3A_31, %reduce_sum3A_32 [1, 2] : vector<1x8x128xf32> to vector<1xf32>
    %reduce_sum3A_34 = vector.shape_cast %reduce_sum3A_33 : vector<1xf32> to vector<1x1x1xf32>
    %reduce_sum3A_35 = vector.extract %reduce_sum3A_34[0, 0, 0] : f32 from vector<1x1x1xf32>
    %jit3A_36 = arith.constant 0.000000e+00 : f32
    %broadcast_in_dim3A_37 = vector.broadcast %jit3A_36 : f32 to vector<8x128xf32>
    %select_n3A_38 = arith.select %gt3A_20, %mul3A_30, %broadcast_in_dim3A_37 : vector<8x128xi1>, vector<8x128xf32>
    %reduce_sum3A_39 = vector.shape_cast %select_n3A_38 : vector<8x128xf32> to vector<1x8x128xf32>
    %reduce_sum3A_40 = arith.constant dense<0.000000e+00> : vector<1xf32>
    %reduce_sum3A_41 = vector.multi_reduction <add>, %reduce_sum3A_39, %reduce_sum3A_40 [1, 2] : vector<1x8x128xf32> to vector<1xf32>
    %reduce_sum3A_42 = vector.shape_cast %reduce_sum3A_41 : vector<1xf32> to vector<1x1x1xf32>
    %reduce_sum3A_43 = vector.extract %reduce_sum3A_42[0, 0, 0] : f32 from vector<1x1x1xf32>
    %mul3A_44 = arith.constant 2.500000e-01 : f32
    %mul3A_45 = vector.broadcast %mul3A_44 : f32 to vector<8x128xf32>
    %mul3A_46 = arith.mulf %mul3A_45, %mul3A_30 : vector<8x128xf32>
    %jit3A_47 = arith.constant 0.000000e+00 : f32
    %broadcast_in_dim3A_48 = vector.broadcast %jit3A_47 : f32 to vector<8x128xf32>
    %select_n3A_49 = arith.select %gt3A_20, %broadcast_in_dim3A_48, %mul3A_46 : vector<8x128xi1>, vector<8x128xf32>
    %reduce_sum3A_50 = vector.shape_cast %select_n3A_49 : vector<8x128xf32> to vector<1x8x128xf32>
    %reduce_sum3A_51 = arith.constant dense<0.000000e+00> : vector<1xf32>
    %reduce_sum3A_52 = vector.multi_reduction <add>, %reduce_sum3A_50, %reduce_sum3A_51 [1, 2] : vector<1x8x128xf32> to vector<1xf32>
    %reduce_sum3A_53 = vector.shape_cast %reduce_sum3A_52 : vector<1xf32> to vector<1x1x1xf32>
    %reduce_sum3A_54 = vector.extract %reduce_sum3A_53[0, 0, 0] : f32 from vector<1x1x1xf32>
    %jit3A_55 = arith.constant -1.000000e+00 : f32
    %broadcast_in_dim3A_56 = vector.broadcast %jit3A_55 : f32 to vector<8x128xf32>
    %select_n3A_57 = arith.select %gt3A_20, %broadcast_in_dim3A_56, %sub3A_18 : vector<8x128xi1>, vector<8x128xf32>
    %swap3A = arith.constant 0 : index
    %swap3A_58 = arith.constant 0 : index
    %swap3A_59 = arith.constant 0 : index
    %swap3A_60 = vector.load %arg3[%swap3A, %swap3A_58, %swap3A_59] : memref<1x8x128xf32, #tpu.memory_space<vmem>>, vector<1x8x128xf32>
    %swap3A_61 = vector.shape_cast %swap3A_60 : vector<1x8x128xf32> to vector<8x128xf32>
    %swap3A_62 = vector.shape_cast %select_n3A_57 : vector<8x128xf32> to vector<1x8x128xf32>
    tpu.vector_store %arg3[%swap3A, %swap3A_58, %swap3A_59], %swap3A_62 {strides = array<i32>} : memref<1x8x128xf32, #tpu.memory_space<vmem>>, vector<1x8x128xf32>,
    %mul3A_63 = arith.constant 8 : i32
    %mul3A_64 = arith.muli %arg0, %mul3A_63 : i32
    %swap3A_65 = arith.index_cast %mul3A_64 : i32 to index
    %swap3A_66 = arith.constant 0 : index
    %swap3A_67 = vector.load %arg5[%swap3A_65, %swap3A_66] : memref<256x128xf32, #tpu.memory_space<vmem>>, vector<8x128xf32>
    tpu.vector_store %arg5[%swap3A_65, %swap3A_66], %select_n3A_57 {strides = array<i32>} : memref<256x128xf32, #tpu.memory_space<vmem>>, vector<8x128xf32>,
    %iota3A_68 = tpu.iota {dimensions = array<i32: 1>} : vector<1x128xi32>
    %eq3A_69 = arith.constant 0 : i32
    %eq3A_70 = vector.broadcast %eq3A_69 : i32 to vector<1x128xi32>
    %eq3A_71 = arith.cmpi eq, %iota3A_68, %eq3A_70 : vector<1x128xi32>
    %jit3A_72 = arith.constant 0.000000e+00 : f32
    %broadcast_in_dim3A_73 = vector.broadcast %reduce_sum3A_35 : f32 to vector<1x128xf32>
    %broadcast_in_dim3A_74 = vector.broadcast %jit3A_72 : f32 to vector<1x128xf32>
    %select_n3A_75 = arith.select %eq3A_71, %broadcast_in_dim3A_73, %broadcast_in_dim3A_74 : vector<1x128xi1>, vector<1x128xf32>
    %eq3A_76 = arith.constant 1 : i32
    %eq3A_77 = vector.broadcast %eq3A_76 : i32 to vector<1x128xi32>
    %eq3A_78 = arith.cmpi eq, %iota3A_68, %eq3A_77 : vector<1x128xi32>
    %jit3A_79 = arith.constant 0.000000e+00 : f32
    %broadcast_in_dim3A_80 = vector.broadcast %reduce_sum3A_43 : f32 to vector<1x128xf32>
    %broadcast_in_dim3A_81 = vector.broadcast %jit3A_79 : f32 to vector<1x128xf32>
    %select_n3A_82 = arith.select %eq3A_78, %broadcast_in_dim3A_80, %broadcast_in_dim3A_81 : vector<1x128xi1>, vector<1x128xf32>
    %add3A_83 = arith.addf %select_n3A_75, %select_n3A_82 : vector<1x128xf32>
    %eq3A_84 = arith.constant 2 : i32
    %eq3A_85 = vector.broadcast %eq3A_84 : i32 to vector<1x128xi32>
    %eq3A_86 = arith.cmpi eq, %iota3A_68, %eq3A_85 : vector<1x128xi32>
    %jit3A_87 = arith.constant 0.000000e+00 : f32
    %broadcast_in_dim3A_88 = vector.broadcast %reduce_sum3A_54 : f32 to vector<1x128xf32>
    %broadcast_in_dim3A_89 = vector.broadcast %jit3A_87 : f32 to vector<1x128xf32>
    %select_n3A_90 = arith.select %eq3A_86, %broadcast_in_dim3A_88, %broadcast_in_dim3A_89 : vector<1x128xi1>, vector<1x128xf32>
    %add3A_91 = arith.addf %add3A_83, %select_n3A_90 : vector<1x128xf32>
    %eq3A_92 = arith.constant 0 : i32
    %eq3A_93 = arith.cmpi eq, %arg0, %eq3A_92 : i32
    %convert_element_type3A_94 = arith.extui %eq3A_93 : i1 to i32
    %cond3A = arith.constant 0 : i32
    %cond3A_95 = arith.cmpi ne, %convert_element_type3A_94, %cond3A : i32
    scf.if %cond3A_95 {
      %broadcast_in_dim3A_108 = arith.constant 0.000000e+00 : f32
      %broadcast_in_dim3A_109 = vector.broadcast %broadcast_in_dim3A_108 : f32 to vector<1x128xf32>
      %swap3A_110 = arith.constant 0 : index
      %swap3A_111 = arith.constant 0 : index
      %swap3A_112 = vector.load %arg4[%swap3A_110, %swap3A_111] : memref<1x128xf32, #tpu.memory_space<vmem>>, vector<1x128xf32>
      tpu.vector_store %arg4[%swap3A_110, %swap3A_111], %broadcast_in_dim3A_109 {strides = array<i32>} : memref<1x128xf32, #tpu.memory_space<vmem>>, vector<1x128xf32>,
    } else {
    }
    %get3A_96 = arith.constant 0 : index
    %get3A_97 = arith.constant 0 : index
    %get3A_98 = vector.load %arg4[%get3A_96, %get3A_97] : memref<1x128xf32, #tpu.memory_space<vmem>>, vector<1x128xf32>
    %add3A_99 = arith.addf %get3A_98, %add3A_91 : vector<1x128xf32>
    %swap3A_100 = arith.constant 0 : index
    %swap3A_101 = arith.constant 0 : index
    %swap3A_102 = vector.load %arg4[%swap3A_100, %swap3A_101] : memref<1x128xf32, #tpu.memory_space<vmem>>, vector<1x128xf32>
    tpu.vector_store %arg4[%swap3A_100, %swap3A_101], %add3A_99 {strides = array<i32>} : memref<1x128xf32, #tpu.memory_space<vmem>>, vector<1x128xf32>,
    %eq3A_103 = arith.constant 31 : i32
    %eq3A_104 = arith.cmpi eq, %arg0, %eq3A_103 : i32
    %convert_element_type3A_105 = arith.extui %eq3A_104 : i1 to i32
    %cond3A_106 = arith.constant 0 : i32
    %cond3A_107 = arith.cmpi ne, %convert_element_type3A_105, %cond3A_106 : i32
    scf.if %cond3A_107 {
      %get3A_108 = arith.constant 0 : index
      %get3A_109 = arith.constant 0 : index
      %get3A_110 = vector.load %arg5[%get3A_108, %get3A_109] : memref<256x128xf32, #tpu.memory_space<vmem>>, vector<256x128xf32>
      %bitcast_convert_type3A = tpu.bitcast %get3A_110 : vector<256x128xf32> -> vector<256x128xi32>
      %max3A = arith.constant 0 : i32
      %max3A_111 = vector.broadcast %max3A : i32 to vector<256x128xi32>
      %max3A_112 = arith.maxsi %bitcast_convert_type3A, %max3A_111 : vector<256x128xi32>
      %get3A_113 = arith.constant 0 : index
      %get3A_114 = arith.constant 0 : index
      %get3A_115 = vector.load %arg4[%get3A_113, %get3A_114] : memref<1x128xf32, #tpu.memory_space<vmem>>, vector<1x1xf32>
      %get3A_116 = vector.extract %get3A_115[0, 0] : f32 from vector<1x1xf32>
      %convert_element_type3A_117 = arith.fptosi %get3A_116 : f32 to i32
      %sub3A_118 = arith.constant 32768 : i32
      %sub3A_119 = arith.subi %sub3A_118, %convert_element_type3A_117 : i32
      %jit3A_120 = arith.constant 4 : i32
      %div3A = arith.divsi %convert_element_type3A_117, %jit3A_120 : i32
      %sign3A = arith.constant 0 : i32
      %sign3A_121 = arith.cmpi sgt, %convert_element_type3A_117, %sign3A : i32
      %sign3A_122 = arith.extui %sign3A_121 : i1 to i32
      %sign3A_123 = arith.constant 0 : i32
      %sign3A_124 = arith.cmpi slt, %convert_element_type3A_117, %sign3A_123 : i32
      %sign3A_125 = arith.extui %sign3A_124 : i1 to i32
      %sign3A_126 = arith.subi %sign3A_122, %sign3A_125 : i32
      %sign3A_127 = arith.constant 0 : i32
      %sign3A_128 = arith.cmpi sgt, %jit3A_120, %sign3A_127 : i32
      %sign3A_129 = arith.extui %sign3A_128 : i1 to i32
      %sign3A_130 = arith.constant 0 : i32
      %sign3A_131 = arith.cmpi slt, %jit3A_120, %sign3A_130 : i32
      %sign3A_132 = arith.extui %sign3A_131 : i1 to i32
      %sign3A_133 = arith.subi %sign3A_129, %sign3A_132 : i32
      %ne3A = arith.cmpi ne, %sign3A_126, %sign3A_133 : i32
      %rem3A = arith.remsi %convert_element_type3A_117, %jit3A_120 : i32
      %ne3A_134 = arith.constant 0 : i32
      %ne3A_135 = arith.cmpi ne, %rem3A, %ne3A_134 : i32
      %and3A = arith.andi %ne3A, %ne3A_135 : i1
      %sub3A_136 = arith.constant 1 : i32
      %sub3A_137 = arith.subi %div3A, %sub3A_136 : i32
      %select_n3A_138 = arith.select %and3A, %sub3A_137, %div3A : i32
      %min3A = arith.minsi %select_n3A_138, %sub3A_119 : i32
      %scan3A = arith.constant 0 : i32
      %scan3A_139 = arith.constant 0 : i32
      %scan3A_140 = arith.constant 31 : i32
      %scan3A_141 = arith.addi %scan3A_139, %scan3A_140 : i32
      %scan3A_142 = arith.constant 1 : i32
      %scan3A_143 = scf.for %scan3A_173 = %scan3A_139 to %scan3A_141 step %scan3A_142 iter_args(%scan3A_174 = %scan3A) -> (i32)  : i32 {
        %sub3A_175 = arith.constant 30 : i32
        %sub3A_176 = arith.subi %sub3A_175, %scan3A_173 : i32
        %shift_left3A = arith.constant 1 : i32
        %shift_left3A_177 = arith.shli %shift_left3A, %sub3A_176 : i32
        %or3A = arith.ori %scan3A_174, %shift_left3A_177 : i32
        %ge3A = vector.broadcast %or3A : i32 to vector<256x128xi32>
        %ge3A_178 = arith.cmpi sge, %max3A_112, %ge3A : vector<256x128xi32>
        %convert_element_type3A_179 = arith.extui %ge3A_178 : vector<256x128xi1> to vector<256x128xi32>
        %reduce_sum3A_180 = vector.shape_cast %convert_element_type3A_179 : vector<256x128xi32> to vector<1x256x128xi32>
        %reduce_sum3A_181 = arith.constant dense<0> : vector<1xi32>
        %reduce_sum3A_182 = vector.multi_reduction <add>, %reduce_sum3A_180, %reduce_sum3A_181 [1, 2] : vector<1x256x128xi32> to vector<1xi32>
        %reduce_sum3A_183 = vector.shape_cast %reduce_sum3A_182 : vector<1xi32> to vector<1x1x1xi32>
        %reduce_sum3A_184 = vector.extract %reduce_sum3A_183[0, 0, 0] : i32 from vector<1x1x1xi32>
        %ge3A_185 = arith.cmpi sge, %reduce_sum3A_184, %min3A : i32
        %select_n3A_186 = arith.select %ge3A_185, %or3A, %scan3A_174 : i32
        scf.yield %select_n3A_186 : i32
      }
      %scan3A_144 = arith.constant 31 : i32
      %gt3A_145 = arith.constant 0 : i32
      %gt3A_146 = arith.cmpi sgt, %min3A, %gt3A_145 : i32
      %jit3A_147 = arith.constant 2139095040 : i32
      %select_n3A_148 = arith.select %gt3A_146, %scan3A_143, %jit3A_147 : i32
      %bitcast_convert_type3A_149 = arith.bitcast %select_n3A_148 : i32 to f32
      %get3A_150 = arith.constant 0 : index
      %get3A_151 = arith.constant 0 : index
      %get3A_152 = vector.load %arg4[%get3A_150, %get3A_151] : memref<1x128xf32, #tpu.memory_space<vmem>>, vector<1x128xf32>
      %eq3A_153 = arith.constant 3 : i32
      %eq3A_154 = vector.broadcast %eq3A_153 : i32 to vector<1x128xi32>
      %eq3A_155 = arith.cmpi eq, %iota3A_68, %eq3A_154 : vector<1x128xi32>
      %jit3A_156 = arith.constant 0.000000e+00 : f32
      %broadcast_in_dim3A_157 = vector.broadcast %bitcast_convert_type3A_149 : f32 to vector<1x128xf32>
      %broadcast_in_dim3A_158 = vector.broadcast %jit3A_156 : f32 to vector<1x128xf32>
      %select_n3A_159 = arith.select %eq3A_155, %broadcast_in_dim3A_157, %broadcast_in_dim3A_158 : vector<1x128xi1>, vector<1x128xf32>
      %eq3A_160 = arith.constant 4 : i32
      %eq3A_161 = vector.broadcast %eq3A_160 : i32 to vector<1x128xi32>
      %eq3A_162 = arith.cmpi eq, %iota3A_68, %eq3A_161 : vector<1x128xi32>
      %convert_element_type3A_163 = arith.sitofp %min3A : i32 to f32
      %jit3A_164 = arith.constant 0.000000e+00 : f32
      %broadcast_in_dim3A_165 = vector.broadcast %convert_element_type3A_163 : f32 to vector<1x128xf32>
      %broadcast_in_dim3A_166 = vector.broadcast %jit3A_164 : f32 to vector<1x128xf32>
      %select_n3A_167 = arith.select %eq3A_162, %broadcast_in_dim3A_165, %broadcast_in_dim3A_166 : vector<1x128xi1>, vector<1x128xf32>
      %add3A_168 = arith.addf %select_n3A_159, %select_n3A_167 : vector<1x128xf32>
      %add3A_169 = arith.addf %get3A_152, %add3A_168 : vector<1x128xf32>
      %swap3A_170 = arith.constant 0 : index
      %swap3A_171 = arith.constant 0 : index
      %swap3A_172 = vector.load %arg4[%swap3A_170, %swap3A_171] : memref<1x128xf32, #tpu.memory_space<vmem>>, vector<1x128xf32>
      tpu.vector_store %arg4[%swap3A_170, %swap3A_171], %add3A_169 {strides = array<i32>} : memref<1x128xf32, #tpu.memory_space<vmem>>, vector<1x128xf32>,
    } else {
    }
    return
  }
  func.func @transform_0(%arg0: i32) -> (i32, i32, i32, i32) {
    %c0_i32 = arith.constant 0 : i32
    %c0_i32_0 = arith.constant 0 : i32
    %c0_i32_1 = arith.constant 0 : i32
    %c0_i32_2 = arith.constant 0 : i32
    return %arg0, %c0_i32, %c0_i32_0, %c0_i32_1 : i32, i32, i32, i32
  }
  func.func @transform_1(%arg0: i32) -> (i32, i32, i32) {
    %c0_i32 = arith.constant 0 : i32
    %c0_i32_0 = arith.constant 0 : i32
    %c0_i32_1 = arith.constant 0 : i32
    return %arg0, %c0_i32, %c0_i32_0 : i32, i32, i32
  }
  func.func @transform_2(%arg0: i32) -> (i32, i32, i32) {
    %c0_i32 = arith.constant 0 : i32
    %c0_i32_0 = arith.constant 0 : i32
    %c0_i32_1 = arith.constant 0 : i32
    return %arg0, %c0_i32, %c0_i32_0 : i32, i32, i32
  }
  func.func @transform_3(%arg0: i32) -> (i32, i32) {
    %c0_i32 = arith.constant 0 : i32
    %c0_i32_0 = arith.constant 0 : i32
    %c0_i32_1 = arith.constant 0 : i32
    return %c0_i32, %c0_i32_0 : i32, i32
  }
}

module attributes {stable_mosaic.version = 14 : i64} {
  func.func @_merge_body(%arg0: memref<16xf32, #tpu.memory_space<smem>>, %arg1: memref<256xf32, #tpu.memory_space<smem>>, %arg2: memref<1x1xf32, #tpu.memory_space<vmem>>) attributes {dimension_semantics = [], scalar_prefetch = 0 : i64, scratch_operands = 0 : i64, tpu.core_type = #tpu.core_type<tc>} {
    %get3A = arith.constant 0 : index
    %get3A_0 = memref.load %arg1[%get3A] : memref<256xf32, #tpu.memory_space<smem>>
    %add3A = arith.constant 0.000000e+00 : f32
    %add3A_1 = arith.addf %add3A, %get3A_0 : f32
    %get3A_2 = arith.constant 1 : index
    %get3A_3 = memref.load %arg1[%get3A_2] : memref<256xf32, #tpu.memory_space<smem>>
    %add3A_4 = arith.constant 0.000000e+00 : f32
    %add3A_5 = arith.addf %add3A_4, %get3A_3 : f32
    %get3A_6 = arith.constant 16 : index
    %get3A_7 = memref.load %arg1[%get3A_6] : memref<256xf32, #tpu.memory_space<smem>>
    %add3A_8 = arith.addf %add3A_1, %get3A_7 : f32
    %get3A_9 = arith.constant 17 : index
    %get3A_10 = memref.load %arg1[%get3A_9] : memref<256xf32, #tpu.memory_space<smem>>
    %add3A_11 = arith.addf %add3A_5, %get3A_10 : f32
    %get3A_12 = arith.constant 32 : index
    %get3A_13 = memref.load %arg1[%get3A_12] : memref<256xf32, #tpu.memory_space<smem>>
    %add3A_14 = arith.addf %add3A_8, %get3A_13 : f32
    %get3A_15 = arith.constant 33 : index
    %get3A_16 = memref.load %arg1[%get3A_15] : memref<256xf32, #tpu.memory_space<smem>>
    %add3A_17 = arith.addf %add3A_11, %get3A_16 : f32
    %get3A_18 = arith.constant 48 : index
    %get3A_19 = memref.load %arg1[%get3A_18] : memref<256xf32, #tpu.memory_space<smem>>
    %add3A_20 = arith.addf %add3A_14, %get3A_19 : f32
    %get3A_21 = arith.constant 49 : index
    %get3A_22 = memref.load %arg1[%get3A_21] : memref<256xf32, #tpu.memory_space<smem>>
    %add3A_23 = arith.addf %add3A_17, %get3A_22 : f32
    %get3A_24 = arith.constant 64 : index
    %get3A_25 = memref.load %arg1[%get3A_24] : memref<256xf32, #tpu.memory_space<smem>>
    %add3A_26 = arith.addf %add3A_20, %get3A_25 : f32
    %get3A_27 = arith.constant 65 : index
    %get3A_28 = memref.load %arg1[%get3A_27] : memref<256xf32, #tpu.memory_space<smem>>
    %add3A_29 = arith.addf %add3A_23, %get3A_28 : f32
    %get3A_30 = arith.constant 80 : index
    %get3A_31 = memref.load %arg1[%get3A_30] : memref<256xf32, #tpu.memory_space<smem>>
    %add3A_32 = arith.addf %add3A_26, %get3A_31 : f32
    %get3A_33 = arith.constant 81 : index
    %get3A_34 = memref.load %arg1[%get3A_33] : memref<256xf32, #tpu.memory_space<smem>>
    %add3A_35 = arith.addf %add3A_29, %get3A_34 : f32
    %get3A_36 = arith.constant 96 : index
    %get3A_37 = memref.load %arg1[%get3A_36] : memref<256xf32, #tpu.memory_space<smem>>
    %add3A_38 = arith.addf %add3A_32, %get3A_37 : f32
    %get3A_39 = arith.constant 97 : index
    %get3A_40 = memref.load %arg1[%get3A_39] : memref<256xf32, #tpu.memory_space<smem>>
    %add3A_41 = arith.addf %add3A_35, %get3A_40 : f32
    %get3A_42 = arith.constant 112 : index
    %get3A_43 = memref.load %arg1[%get3A_42] : memref<256xf32, #tpu.memory_space<smem>>
    %add3A_44 = arith.addf %add3A_38, %get3A_43 : f32
    %get3A_45 = arith.constant 113 : index
    %get3A_46 = memref.load %arg1[%get3A_45] : memref<256xf32, #tpu.memory_space<smem>>
    %add3A_47 = arith.addf %add3A_41, %get3A_46 : f32
    %get3A_48 = arith.constant 128 : index
    %get3A_49 = memref.load %arg1[%get3A_48] : memref<256xf32, #tpu.memory_space<smem>>
    %add3A_50 = arith.addf %add3A_44, %get3A_49 : f32
    %get3A_51 = arith.constant 129 : index
    %get3A_52 = memref.load %arg1[%get3A_51] : memref<256xf32, #tpu.memory_space<smem>>
    %add3A_53 = arith.addf %add3A_47, %get3A_52 : f32
    %get3A_54 = arith.constant 144 : index
    %get3A_55 = memref.load %arg1[%get3A_54] : memref<256xf32, #tpu.memory_space<smem>>
    %add3A_56 = arith.addf %add3A_50, %get3A_55 : f32
    %get3A_57 = arith.constant 145 : index
    %get3A_58 = memref.load %arg1[%get3A_57] : memref<256xf32, #tpu.memory_space<smem>>
    %add3A_59 = arith.addf %add3A_53, %get3A_58 : f32
    %get3A_60 = arith.constant 160 : index
    %get3A_61 = memref.load %arg1[%get3A_60] : memref<256xf32, #tpu.memory_space<smem>>
    %add3A_62 = arith.addf %add3A_56, %get3A_61 : f32
    %get3A_63 = arith.constant 161 : index
    %get3A_64 = memref.load %arg1[%get3A_63] : memref<256xf32, #tpu.memory_space<smem>>
    %add3A_65 = arith.addf %add3A_59, %get3A_64 : f32
    %get3A_66 = arith.constant 176 : index
    %get3A_67 = memref.load %arg1[%get3A_66] : memref<256xf32, #tpu.memory_space<smem>>
    %add3A_68 = arith.addf %add3A_62, %get3A_67 : f32
    %get3A_69 = arith.constant 177 : index
    %get3A_70 = memref.load %arg1[%get3A_69] : memref<256xf32, #tpu.memory_space<smem>>
    %add3A_71 = arith.addf %add3A_65, %get3A_70 : f32
    %get3A_72 = arith.constant 192 : index
    %get3A_73 = memref.load %arg1[%get3A_72] : memref<256xf32, #tpu.memory_space<smem>>
    %add3A_74 = arith.addf %add3A_68, %get3A_73 : f32
    %get3A_75 = arith.constant 193 : index
    %get3A_76 = memref.load %arg1[%get3A_75] : memref<256xf32, #tpu.memory_space<smem>>
    %add3A_77 = arith.addf %add3A_71, %get3A_76 : f32
    %get3A_78 = arith.constant 208 : index
    %get3A_79 = memref.load %arg1[%get3A_78] : memref<256xf32, #tpu.memory_space<smem>>
    %add3A_80 = arith.addf %add3A_74, %get3A_79 : f32
    %get3A_81 = arith.constant 209 : index
    %get3A_82 = memref.load %arg1[%get3A_81] : memref<256xf32, #tpu.memory_space<smem>>
    %add3A_83 = arith.addf %add3A_77, %get3A_82 : f32
    %get3A_84 = arith.constant 224 : index
    %get3A_85 = memref.load %arg1[%get3A_84] : memref<256xf32, #tpu.memory_space<smem>>
    %add3A_86 = arith.addf %add3A_80, %get3A_85 : f32
    %get3A_87 = arith.constant 225 : index
    %get3A_88 = memref.load %arg1[%get3A_87] : memref<256xf32, #tpu.memory_space<smem>>
    %add3A_89 = arith.addf %add3A_83, %get3A_88 : f32
    %get3A_90 = arith.constant 240 : index
    %get3A_91 = memref.load %arg1[%get3A_90] : memref<256xf32, #tpu.memory_space<smem>>
    %add3A_92 = arith.addf %add3A_86, %get3A_91 : f32
    %get3A_93 = arith.constant 241 : index
    %get3A_94 = memref.load %arg1[%get3A_93] : memref<256xf32, #tpu.memory_space<smem>>
    %add3A_95 = arith.addf %add3A_89, %get3A_94 : f32
    %get3A_96 = arith.constant 0 : index
    %get3A_97 = memref.load %arg0[%get3A_96] : memref<16xf32, #tpu.memory_space<smem>>
    %convert_element_type3A = arith.fptosi %get3A_97 : f32 to i32
    %get3A_98 = arith.constant 1 : index
    %get3A_99 = memref.load %arg0[%get3A_98] : memref<16xf32, #tpu.memory_space<smem>>
    %get3A_100 = arith.constant 2 : index
    %get3A_101 = memref.load %arg0[%get3A_100] : memref<16xf32, #tpu.memory_space<smem>>
    %get3A_102 = arith.constant 3 : index
    %get3A_103 = memref.load %arg0[%get3A_102] : memref<16xf32, #tpu.memory_space<smem>>
    %get3A_104 = arith.constant 4 : index
    %get3A_105 = memref.load %arg0[%get3A_104] : memref<16xf32, #tpu.memory_space<smem>>
    %convert_element_type3A_106 = arith.fptosi %get3A_105 : f32 to i32
    %neg3A = arith.constant 0.000000e+00 : f32
    %neg3A_107 = arith.subf %neg3A, %get3A_103 : f32
    %exp3A = math.exp %neg3A_107 : f32
    %sub3A = arith.constant 1.000000e+00 : f32
    %sub3A_108 = arith.subf %sub3A, %exp3A : f32
    %mul3A = arith.constant 2.500000e-01 : f32
    %mul3A_109 = arith.mulf %mul3A, %sub3A_108 : f32
    %sub3A_110 = arith.constant 1.000000e+00 : f32
    %sub3A_111 = arith.subf %sub3A_110, %exp3A : f32
    %mul3A_112 = arith.mulf %mul3A_109, %sub3A_111 : f32
    %mul3A_113 = arith.mulf %mul3A_112, %get3A_103 : f32
    %convert_element_type3A_114 = arith.sitofp %convert_element_type3A_106 : i32 to f32
    %gt3A = arith.constant 0 : i32
    %gt3A_115 = arith.cmpi sgt, %convert_element_type3A_106, %gt3A : i32
    %sub3A_116 = arith.subf %convert_element_type3A_114, %add3A_95 : f32
    %mul3A_117 = arith.mulf %sub3A_116, %mul3A_113 : f32
    %add3A_118 = arith.addf %add3A_92, %mul3A_117 : f32
    %jit3A = arith.constant 0.000000e+00 : f32
    %select_n3A = arith.select %gt3A_115, %add3A_118, %jit3A : f32
    %add3A_119 = arith.addi %convert_element_type3A, %convert_element_type3A_106 : i32
    %convert_element_type3A_120 = arith.sitofp %add3A_119 : i32 to f32
    %add3A_121 = arith.addf %get3A_99, %select_n3A : f32
    %max3A = arith.constant 1.000000e+00 : f32
    %max3A_122 = arith.maximumf %convert_element_type3A_120, %max3A : f32
    %div3A = arith.divf %add3A_121, %max3A_122 : f32
    %add3A_123 = arith.addf %get3A_99, %get3A_101 : f32
    %mul3A_124 = arith.constant 3.05175781E-5 : f32
    %mul3A_125 = arith.mulf %add3A_123, %mul3A_124 : f32
    %eq3A = arith.constant 0 : i32
    %eq3A_126 = arith.cmpi eq, %convert_element_type3A, %eq3A : i32
    %select_n3A_127 = arith.select %eq3A_126, %mul3A_125, %div3A : f32
    %broadcast_in_dim3A = vector.broadcast %select_n3A_127 : f32 to vector<1x1xf32>
    %swap3A = arith.constant 0 : index
    %swap3A_128 = arith.constant 0 : index
    %swap3A_129 = vector.load %arg2[%swap3A, %swap3A_128] : memref<1x1xf32, #tpu.memory_space<vmem>>, vector<1x1xf32>
    tpu.vector_store %arg2[%swap3A, %swap3A_128], %broadcast_in_dim3A {strides = array<i32>} : memref<1x1xf32, #tpu.memory_space<vmem>>, vector<1x1xf32>,
    return
  }
}

</mosaic_0001>

<sc_bundles>
// kernel: kernel.5.cloned.1.call-start
scs
__scs_entry_jumppad:
0x0: {  	(pc) =	sbr.rel $0x88, $3  }
0x1: {  	(tag) =	ssettag $0x0;
	lr =	simm.s32 $0x1  }
0x2: {  	[smem:$0x3F9F] =	sst lr;
	_ =	strace $0xD0000000  }
0x3: {  	_ = 	snop  }
0x4: {  	_ = 	snop  }
0x5: {  	_ = 	snop  }
0x6: {  	_ = 	snop  }
0x7: {  	_ = 	snop  }
__scs_overlays_trampoline_lowered:
0x8: {  	[smem:$0x3FAE] =	sst s0  }
0x9: {  	[smem:$0x3FAF] =	sst s1  }
0xa: {  	[smem:$0x3FB0] =	sst s2  }
0xb: {  	[smem:$0x3FB1] =	sst s3  }
0xc: {  	[smem:$0x3FB2] =	sst s4  }
0xd: {  	[smem:$0x3FB3] =	sst s5  }
0xe: {  	[smem:$0x3FB4] =	sst s6  }
0xf: {  	[smem:$0x3FB5] =	sst s7  }
0x10: {  	[smem:$0x3FB6] =	sst s8  }
0x11: {  	[smem:$0x3FB7] =	sst s9;
	s0 =	simm.s32 @!p0 $0x0  }
0x12: {  	s1 =	sld [smem:$0x3F9D];
	s0 =	simm.s32 @p0 $0x1  }
0x13: {  	[smem:$0x3FB8] =	sst s0;
	s0 =	simm.s32 @!p1 $0x0  }
0x14: {  	s2 =	sld [smem:$0x3F9C];
	s0 =	simm.s32 @p1 $0x1  }
0x15: {  	[smem:$0x3FB9] =	sst s0;
	s0 =	simm.s32 @!p2 $0x0  }
0x16: {  	s3 =	sld [smem:$0x3FDB];
	s0 =	simm.s32 @p2 $0x1  }
0x17: {  	s4 =	simm.s32 $0x1BF5;
	[smem:$0x3FBB] =	sst s0  }
0x18: {  	s0 =	sld [smem:$0x3F9E];
	_ =	swait.ge [sflag:s4], $0x0  }
0x19: {  	s7 =	sld [smem:$0x3F9F]  }
0x1a: {  	s8 =	sadd.s32 $0xFFFFE003, lr  }
0x1b: {  	s9 =	sadd.s32 $0xFFFFFEF7, lr;
	s5 =	simm.s32 $0xFFFFFFFF;
	p2 =	slt.u32 s8, $0xFFFFF086  }
0x1c: {  	p1 =	slt.u32 s9, $0xF7A;
	s5 =	simm.s32 @!p2 $0x0  }
0x1d: {  	s5 =	simm.s32 @p1 $0x1;
	p0 =	seq.s32 s7, s2  }
0x1e: {  	s7 =	smul.u32 @!p0 $0xF7A, s2;
	p2 =	seq.s32 @!p0 s5, $0x0  }
0x1f: {  	s9 =	smul.u32 $0xF7A, s1;
	s8 =	simm.s32 @!p0 $0x1BF5;
	p2 =	por !p2, p0  }
0x20: {  	[sflag:s8] =	ssyncset.s32 @!p0 $0xFFFFF086;
	s6 =	sadd.s32 @!p0 s3, s7;
	s7 =	simm.s32 @!p0 $0x108  }
0x21: {  	s3 =	sadd.s32 s3, s9;
	s6 =	sadd.s32 @!p0 $0x88, s6;
	s7 =	simm.s32 @p2 $0x1082  }
0x22: {  	[simem:s7], [sflag:s8] =	dma.local @!p0 [hbm:s6], $0xF7A  }
0x23: {  	s9 =	sor.u32 $0xD0000000, s2;
	s6 =	simm.s32 $0x108;
	_ =	swait.ge @!p0 [sflag:s8], $0x0  }
0x24: {  	s3 =	sadd.s32 $0x88, s3;
	s6 =	simm.s32 @!p1 $0x1082;
	[sflag:s4] =	ssyncset.s32 $0xFFFFF086  }
0x25: {  	[simem:s6], [sflag:s4] =	dma.local [hbm:s3], $0xF7A  }
0x26: {  	[smem:$0x3F9F] =	sst s1;
	(tag) =	ssettag s2;
	_ =	strace s9  }
0x27: {  	s1 =	sld [smem:$0x3FAF]  }
0x28: {  	s2 =	sld [smem:$0x3FB0]  }
0x29: {  	s4 =	sld [smem:$0x3FB2]  }
0x2a: {  	p0 =	seq.s32 s5, $0x0;
	s5 =	sld [smem:$0x3FB3]  }
0x2b: {  	s6 =	sld [smem:$0x3FB4]  }
0x2c: {  	s7 =	sld [smem:$0x3FB5]  }
0x2d: {  	s3 =	simm.s32 $0x108;
	s8 =	sld [smem:$0x3FB6]  }
0x2e: {  	s3 =	simm.s32 @!p0 $0x1082;
	s9 =	sld [smem:$0x3FB7]  }
0x2f: {  	lr =	sadd.s32 s0, s3;
	s0 =	sld [smem:$0x3FAE]  }
0x30: {  	s3 =	sld [smem:$0x3FB1]  }
0x31: {  	[smem:$0x3FBA] =	sst s10  }
0x32: {  	s10 =	sld [smem:$0x3FB8];
	_ =	sdelay $0x3  }
0x33: {  	p0 =	seq.s32 s10, $0x1;
	s10 =	sld [smem:$0x3FBA];
	_ =	sdelay $0x3  }
0x34: {  	[smem:$0x3FBA] =	sst s10  }
0x35: {  	s10 =	sld [smem:$0x3FB9];
	_ =	sdelay $0x3  }
0x36: {  	p1 =	seq.s32 s10, $0x1;
	s10 =	sld [smem:$0x3FBA];
	_ =	sdelay $0x3  }
0x37: {  	[smem:$0x3FBA] =	sst s10  }
0x38: {  	s10 =	sld [smem:$0x3FBB]  }
0x39: {  	_ = 	snop;
	(pc) =	sbr.ind lr, $3  }
0x3a: {  	_ = 	snop  }
0x3b: {  	_ = 	snop  }
0x3c: {  	p2 =	seq.s32 s10, $0x1;
	s10 =	sld [smem:$0x3FBA]  }
0x3d: {  	_ =	shalt  }
0x3e: {  	_ =	shalt  }
0x3f: {  	_ =	shalt  }
0x40: {  	_ =	shalt  }
0x41: {  	_ =	shalt  }
0x42: {  	_ =	shalt  }
0x43: {  	_ =	shalt  }
0x44: {  	_ =	shalt  }
0x45: {  	_ =	shalt  }
0x46: {  	_ =	shalt  }
0x47: {  	_ =	shalt  }
0x48: {  	_ =	shalt  }
0x49: {  	_ =	shalt  }
0x4a: {  	_ =	shalt  }
0x4b: {  	_ =	shalt  }
0x4c: {  	_ =	shalt  }
0x4d: {  	_ =	shalt  }
0x4e: {  	_ =	shalt  }
0x4f: {  	_ =	shalt  }
0x50: {  	_ =	shalt  }
0x51: {  	_ =	shalt  }
0x52: {  	_ =	shalt  }
0x53: {  	_ =	shalt  }
0x54: {  	_ =	shalt  }
0x55: {  	_ =	shalt  }
0x56: {  	_ =	shalt  }
0x57: {  	_ =	shalt  }
0x58: {  	_ =	shalt  }
0x59: {  	_ =	shalt  }
0x5a: {  	_ =	shalt  }
0x5b: {  	_ =	shalt  }
0x5c: {  	_ =	shalt  }
0x5d: {  	_ =	shalt  }
0x5e: {  	_ =	shalt  }
0x5f: {  	_ =	shalt  }
0x60: {  	_ =	shalt  }
0x61: {  	_ =	shalt  }
0x62: {  	_ =	shalt  }
0x63: {  	_ =	shalt  }
0x64: {  	_ =	shalt  }
0x65: {  	_ =	shalt  }
0x66: {  	_ =	shalt  }
0x67: {  	_ =	shalt  }
0x68: {  	_ =	shalt  }
0x69: {  	_ =	shalt  }
0x6a: {  	_ =	shalt  }
0x6b: {  	_ =	shalt  }
0x6c: {  	_ =	shalt  }
0x6d: {  	_ =	shalt  }
0x6e: {  	_ =	shalt  }
0x6f: {  	_ =	shalt  }
0x70: {  	_ =	shalt  }
0x71: {  	_ =	shalt  }
0x72: {  	_ =	shalt  }
0x73: {  	_ =	shalt  }
0x74: {  	_ =	shalt  }
0x75: {  	_ =	shalt  }
0x76: {  	_ =	shalt  }
0x77: {  	_ =	shalt  }
0x78: {  	_ =	shalt  }
0x79: {  	_ =	shalt  }
0x7a: {  	_ =	shalt  }
0x7b: {  	_ =	shalt  }
0x7c: {  	_ =	shalt  }
0x7d: {  	_ =	shalt  }
0x7e: {  	_ =	shalt  }
0x7f: {  	_ =	shalt  }
0x80: {  	_ =	shalt  }
0x81: {  	_ =	shalt  }
0x82: {  	_ =	shalt  }
0x83: {  	_ =	shalt  }
0x84: {  	_ =	shalt  }
0x85: {  	_ =	shalt  }
0x86: {  	_ =	shalt  }
0x87: {  	_ =	shalt  }
.Lfunc_end0:
.L_simem_size_0:
called_computation_lowered:
.L_overlay_start_0:
0x88: {  	s0 =	sld [smem:$0x3FD9]  }
0x89: {  	s1 =	sld [smem:$0x3FFE];
	_ =	sdelay $0x3  }
0x8a: {  	s0 =	sadd.s32 s1, s0  }
0x8b: {  	[smem:$0x3FC6] =	sst s0  }
0x8c: {  	_ = 	snop  }
0x8d: {  	s0 =	sld [smem:$0x3FD0];
	(tm) =	ssettm $0x1  }
0x8e: {  	s16 =	sld [smem:$0x3FFB];
	_ =	sdelay $0x3  }
0x8f: {  	_ =	strace s16  }
0x90: {  	s1 =	sld [smem:$0x3FFC];
	_ =	sdelay $0x3  }
0x91: {  	_ =	strace s1  }
0x92: {  	s1 =	sld [smem:$0x3FFD];
	_ =	sdelay $0x3  }
0x93: {  	_ =	strace s1  }
0x94: {  	_ =	strace $0x8FFFFFFF  }
0x95: {  	s17 =	sld [smem:$0x3FDB];
	_ =	sdelay $0x1  }
0x96: {  	s2 =	simm.s32 $_scs_section_size  }
0x97: {  	s3 =	simm.s32 $_size__tile_overlayer_lowered;
	s4 =	simm.s32 $_tile_overlayer_lowered  }
0x98: {  	s20 =	simm.s32 $0x1BFF;
	s19 =	sshll.u32 s4, $0x1;
	s1 =	sadd.s32 s2, s17  }
0x99: {  	s5 =	simm.s32 $0x0;
	s18 =	sshll.u32 s3, $0x1;
	s3 =	sadd.s32 s19, s1  }
0x9a: {  	[timem:s5], [sflag:s20] =	dma.local [hbm:s3], s18  }
0x9b: {  	_ =	swait.ge [sflag:s20], s18  }
0x9c: {  	s2 =	ssub.s32 $0x0, s18;
	[sflag:s20] =	ssyncset.done $0x0  }
0x9d: {  	[sflag:s20] =	ssyncadd.s32 s2;
	_ =	sdelay $0x1  }
0x9e: {  	s21 =	simm.s32 $0x1B8B  }
0x9f: {  	_ =	swait.ge [sflag:s21], $0x1  }
0xa0: {  	[sflag:s21] =	ssyncset.done $0x0  }
0xa1: {  	s23 =	simm.s32 $0x1B8E;
	s22 =	sld [smem:$0x3FFE];
	[sflag:s21] =	ssyncadd.s32 $0xFFFFFFFF  }
0xa2: {  	s24 =	simm.s32 $execute0_lowered;
	[smem:$0x3FD2] =	sst s23  }
0xa3: {  	s3 =	sshll.u32 s24, $0x1;
	_ =	strace $0x80000046;
	[dreg:$0x1] =	wrdreg $0xFFFFFFFF  }
0xa4: {  	s25 =	simm.s32 $_size_execute0_lowered;
	s1 =	sadd.s32 s1, s3;
	[dreg:$0x0] =	wrdreg $0x0  }
0xa5: {  	s3 =	sshll.u32 s25, $0x1;
	[dreg:$0x2] =	wrdreg s1  }
0xa6: {  	[dreg:$0x3] =	wrdreg s3  }
0xa7: {  	[dreg:$0x4] =	wrdreg $0xC0  }
0xa8: {  	_ =	task [dreg:s5], $0x5FFFF  }
0xa9: {  	[dreg:$0x1] =	wrdreg $0xFFFFFFFF  }
0xaa: {  	[dreg:$0x0] =	wrdreg $0x60  }
0xab: {  	[dreg:$0x2] =	wrdreg s22  }
0xac: {  	[dreg:$0x3] =	wrdreg s0  }
0xad: {  	[dreg:$0x4] =	wrdreg $0x9  }
0xae: {  	_ =	task.clear_ibuf [dreg:s5], $0x5FFFF;
	_ =	strace $0x90000046  }
0xaf: {  	s26 =	simm.s32 $0x9;
	_ =	strace $0x80000048  }
0xb0: {  	_ =	swait.ge [sflag:s26], $0x1  }
0xb1: {  	[sflag:s26] =	ssyncadd.s32 $0xFFFFFFFF  }
0xb2: {  	_ =	strace $0x90000048  }
0xb3: {  	_ =	sfence  }
0xb4: {  	s28 =	sld [smem:$0x0];
	_ =	sdelay $0x1  }
0xb5: {  	s29 =	srdreg.scid  }
0xb6: {  	s30 =	sshll.u32 s29, $0xD;
	s31 =	sshrl.u32 s29, $0x2  }
0xb7: {  	s2 =	sand.u32 $0x4000, s30;
	s1 =	sand.u32 $0x1, s29;
	s0 =	sadd.s32 s31, s28  }
0xb8: {  	s1 =	sor.u32 s2, s1;
	s0 =	sshll.u32 s0, $0x11  }
0xb9: {  	s0 =	sor.u32 s0, s1  }
0xba: {  	s0 =	sadd.s32 $0x8F2B, s0  }
0xbb: {  	[sflag:s0] =	ssyncadd.remote.s32 $0x1  }
0xbc: {  	_ =	sfence.sel $0xFFFF  }
0xbd: {  	[dreg:$0x0] =	wrdreg $0xFFFFFFFF;
	(pc) =	sbr.abs _section_cstart, $3  }
0xbe: {  	[dreg:$0x1] =	wrdreg $0xFFFFFFFF  }
0xbf: {  	_ =	task.clear_ibuf [dreg:s5], $0x2FFFF;
	_ =	strace $0x9FFFFFFF  }
0xc0: {  	(tm) =	ssettm $0x7FFFFFFF  }
0xc1: {  	_ =	shalt  }
tec
execute0_lowered:
.L_overlay_start_1:
0x0: {  	(tag) =	ssettag $0x1  }
0x1: {  	s2 =	rddreg [dreg:$0x0]  }
0x2: {  	s3 =	rddreg [dreg:$0x1];
	s1 =	stileid.u32  }
0x3: {  	s0 =	rddreg [dreg:$0x2];
	s4 =	simm.s32 $0x0;
	s5 =	sshll.u32 s1, $0x8  }
0x4: {  	[smem:$0x7FF] =	sst s4;
	s5 =	sadd.s32 s5, s2  }
0x5: {  	s29 =	simm.s32 $0x1;
	_ =	strace $0x80000047;
	s5 =	sadd.s32 $0xC00, s5  }
0x6: {  	[tilespmem:s4], [sflag:$0x1] =	stream.linear.gather [hbm4b:s5+s4], $0x800, $0x38;
	[tilespmem:$0x900] =	vst v63  }
0x7: {  	_ =	swait.ge [sflag:s29], $0x800  }
0x8: {  	[sflag:s29] =	ssyncset.done $0x0  }
0x9: {  	s6 =	simm.s32 $0x800;
	[sflag:s29] =	ssyncadd.s32 $0xFFFFF800  }
0xa: {  	[tilespmem:s6], [sflag:$0x1] =	stream.linear.gather [hbm4b:s3+s4], $0x80, $0x38;
	[tilespmem:$0x900] =	vst v63  }
0xb: {  	_ =	swait.ge [sflag:s29], $0x80  }
0xc: {  	[sflag:s29] =	ssyncset.done $0x0  }
0xd: {  	s30 =	simm.s32 $0x0;
	[sflag:s29] =	ssyncadd.s32 $0xFFFFFF80  }
0xe: {  	v9 =	vld [tilespmem:s30+$0x0];
	_ =	sdelay $0x2  }
0xf: {  	v7 =	vld [tilespmem:s30+$0x10]  }
0x10: {  	v6 =	vld [tilespmem:s30+$0x20]  }
0x11: {  	v0 =	vsub.f32 $0.0e+00, v9  }
0x12: {  	v5 =	vld [tilespmem:s30+$0x30]  }
0x13: {  	v0 =	vmul.f32 $1.442695020e+00, v0  }
0x14: {  	v4 =	vsub.f32 $0.0e+00, v7  }
0x15: {  	(erf) = vpow2.f32 v0;
	v0 =	vsub.f32 $0.0e+00, v6  }
0x16: {  	s31 =	simm.s32 $0x40;
	v1 =	vld [tilespmem:$0x800];
	v11 =	vmul.f32 $1.442695020e+00, v4  }
0x17: {  	v3 =	vld [tilespmem:s31+$0x30];
	v10 =	vsub.f32 $0.0e+00, v5;
	v12 =	vmul.f32 $1.442695020e+00, v0  }
0x18: {  	v2 =	vld [tilespmem:s31+$0x20];
	(erf) = vpow2.f32 v11  }
0x19: {  	v8 =	vld [tilespmem:s31+$0x0];
	v10 =	vmul.f32 $1.442695020e+00, v10;
	(erf) = vpow2.f32 v12  }
0x1a: {  	v4 =	vld [tilespmem:s31+$0x10]  }
0x1b: {  	v1 =	vbroadcast v1, $0x3;
	(erf) = vpow2.f32 v10  }
0x1c: {  	vm0 =	vgt.s32 v7, $0x0;
	vm1 =	vgt.s32 v6, $0x0;
	vm3 =	vgt.s32 v5, $0x0  }
0x1d: {  	v14 =	vsub.f32 $0.0e+00, v2;
	v16 =	vsub.f32 $0.0e+00, v3;
	vm2 =	vgt.s32 v9, $0x0  }
0x1e: {  	v13 =	vsub.f32 $0.0e+00, v8;
	v11 =	vimm.f32 $0.0e+00;
	v0 =	vimm.f32 $0.0e+00  }
0x1f: {  	s2 =	sadd.s32 $0x1C00, s2;
	s3 =	simm.s32 $0x200;
	v15 =	vsub.f32 $0.0e+00, v4;
	v12 =	vimm.f32 $0.0e+00;
	v10 =	vnsel vm3, $0x0, v5;
	v17 =	vpop (erf)  }
.LBB2_1:
0x20: {  	p0 =	sne.s32 s3, $0x1F00;
	v17 =	vsub.f32 $1.000000000e+00, v17;
	v22 =	vnsel vm0, $0x0, v7;
	v19 =	vnsel vm1, $0x0, v6  }
0x21: {  	v20 =	vnsel vm2, $0x0, v9;
	vm1 =	vgt.s32 v22, v1;
	vm0 =	vgt.s32 v19, v1;
	v18 =	vpop (erf)  }
0x22: {  	v16 =	vmul.f32 $1.442695020e+00, v16;
	v19 =	vmul.f32 $2.500000000e-01, v17;
	v18 =	vsub.f32 $1.000000000e+00, v18;
	v21 =	vpop (erf)  }
0x23: {  	v14 =	vmul.f32 $1.442695020e+00, v14;
	v15 =	vmul.f32 $1.442695020e+00, v15;
	v21 =	vsub.f32 $1.000000000e+00, v21  }
0x24: {  	vm2 =	vgt.s32 v20, v1;
	v17 =	vmul.f32 v19, v17;
	v19 =	vmul.f32 $2.500000000e-01, v18;
	v20 =	vpop (erf)  }
0x25: {  	v13 =	vmul.f32 $1.442695020e+00, v13;
	v22 =	vmul.f32 $2.500000000e-01, v21;
	v20 =	vsub.f32 $1.000000000e+00, v20  }
0x26: {  	v17 =	vmul.f32 v17, v9;
	v18 =	vmul.f32 v19, v18;
	v19 =	vsel vm0, $0x3F800000, v0;
	v9 =	vmovc v8  }
0x27: {  	v23 =	vsel vm1, $0x3F800000, v0;
	v8 =	vsel vm2, $0x3F800000, v0;
	v24 =	vmul.f32 $2.500000000e-01, v20  }
0x28: {  	v21 =	vmul.f32 v22, v21;
	v17 =	vnsel vm2, $0x0, v17;
	v18 =	vmul.f32 v18, v7;
	v7 =	vmovc v4  }
0x29: {  	s4 =	sshra.s32 s3, $0x2;
	v8 =	vadd.f32 v8, v12;
	(erf) = vpow2.f32 v13;
	v4 =	vadd.f32 v17, v11  }
0x2a: {  	v12 =	vmul.f32 v21, v6;
	v17 =	vmul.f32 v24, v20;
	v6 =	vmovc v2;
	v13 =	vld [tilespmem:s4+$0x30];
	v11 =	vnsel vm1, $0x0, v18  }
0x2b: {  	v2 =	vld [tilespmem:s4+$0x20];
	(erf) = vpow2.f32 v15;
	v11 =	vadd.f32 v11, v4;
	v15 =	vadd.f32 v23, v8  }
0x2c: {  	v12 =	vnsel vm0, $0x0, v12;
	v4 =	vld [tilespmem:s4+$0x10];
	(erf) = vpow2.f32 v14;
	v14 =	vmul.f32 v17, v5;
	v5 =	vmovc v3  }
0x2d: {  	vm0 =	vgt.s32 v10, v1;
	v8 =	vld [tilespmem:s4+$0x0];
	v17 =	vadd.f32 v12, v11;
	v12 =	vadd.f32 v19, v15  }
.Ltmp0:
0x2e: {  	(erf) = vpow2.f32 v16;
	v10 =	vnsel vm0, $0x0, v14;
	v14 =	vsel vm0, $0x3F800000, v0;
	(pc) =	sbr.rel @p0 .LBB2_1-.Ltmp0, $4  }
0x2f: {  	v11 =	vadd.f32 v10, v17;
	v12 =	vadd.f32 v14, v12;
	v3 =	vmov v13  }
0x30: {  	vm1 =	vgt.s32 v6, $0x0;
	vm3 =	vgt.s32 v5, $0x0;
	vm0 =	vgt.s32 v7, $0x0  }
0x31: {  	vm2 =	vgt.s32 v9, $0x0;
	v14 =	vsub.f32 $0.0e+00, v2;
	v16 =	vsub.f32 $0.0e+00, v3  }
0x32: {  	s3 =	sadd.s32 $0x100, s3;
	v10 =	vnsel vm3, $0x0, v5;
	v15 =	vsub.f32 $0.0e+00, v4;
	v13 =	vsub.f32 $0.0e+00, v8;
	v17 =	vpop (erf)  }
0x33: {  	v17 =	vsub.f32 $1.000000000e+00, v17;
	v18 =	vnsel vm0, $0x0, v7  }
0x34: {  	v19 =	vnsel vm1, $0x0, v6;
	v21 =	vnsel vm2, $0x0, v9;
	v16 =	vmul.f32 $1.442695020e+00, v16  }
0x35: {  	v14 =	vmul.f32 $1.442695020e+00, v14;
	vm7 =	vgt.s32 v10, v1;
	vm8 =	vgt.s32 v4, $0x0  }
0x36: {  	vm9 =	vgt.s32 v2, $0x0;
	vm10 =	vgt.s32 v3, $0x0;
	vm3 =	vgt.s32 v8, $0x0  }
0x37: {  	v41 =	vimm.s32 $0xFEDCBA98;
	v42 =	vimm.s32 $0x76543210;
	v46 =	vimm.s32 $0xBA98FEDC;
	v20 =	vpop (erf)  }
0x38: {  	v47 =	vimm.s32 $0x32107654;
	v51 =	vimm.s32 $0xDCFE98BA;
	v20 =	vsub.f32 $1.000000000e+00, v20  }
0x39: {  	vm0 =	vgt.s32 v18, v1;
	v13 =	vmul.f32 $1.442695020e+00, v13;
	v53 =	vmul.f32 $2.500000000e-01, v17;
	v22 =	vpop (erf)  }
0x3a: {  	v15 =	vmul.f32 $1.442695020e+00, v15;
	v22 =	vsub.f32 $1.000000000e+00, v22;
	v23 =	vmul.f32 $2.500000000e-01, v20  }
0x3b: {  	vm1 =	vgt.s32 v19, v1;
	v17 =	vmul.f32 v53, v17;
	v54 =	vpop (erf);
	(erf) = vpow2.f32 v13  }
0x3c: {  	v55 =	vmul.f32 $2.500000000e-01, v22;
	v18 =	vsub.f32 $1.000000000e+00, v54;
	(erf) = vpow2.f32 v15  }
0x3d: {  	vm2 =	vgt.s32 v21, v1;
	v20 =	vmul.f32 v23, v20;
	v56 =	vmul.f32 v17, v9  }
0x3e: {  	v21 =	vnsel vm10, $0x0, v3;
	(erf) = vpow2.f32 v14;
	v58 =	vmul.f32 $2.500000000e-01, v18  }
0x3f: {  	v19 =	vmul.f32 v55, v22;
	v59 =	vmul.f32 v20, v7;
	v9 =	vnsel vm2, $0x0, v56  }
0x40: {  	v24 =	vnsel vm8, $0x0, v4;
	(erf) = vpow2.f32 v16;
	v9 =	vadd.f32 v9, v11  }
0x41: {  	v61 =	vmul.f32 v19, v6;
	v62 =	vmul.f32 v58, v18;
	v7 =	vnsel vm0, $0x0, v59  }
0x42: {  	v25 =	vnsel vm9, $0x0, v2;
	v26 =	vnsel vm3, $0x0, v8;
	v7 =	vadd.f32 v7, v9  }
0x43: {  	v43 =	vunpack.c.l.s4.s8 v42;
	v6 =	vnsel vm1, $0x0, v61;
	v5 =	vmul.f32 v62, v5  }
0x44: {  	v57 =	vsel vm2, $0x3F800000, v0;
	v63 =	vsel vm0, $0x3F800000, v0;
	v6 =	vadd.f32 v6, v7  }
0x45: {  	vm11 =	vgt.s32 v26, v1;
	v60 =	vadd.f32 v57, v12;
	v5 =	vnsel vm7, $0x0, v5;
	v19 =	vpop (erf)  }
0x46: {  	vm12 =	vgt.s32 v25, v1;
	v5 =	vadd.f32 v5, v6;
	v6 =	vsub.f32 $1.000000000e+00, v19  }
0x47: {  	vm13 =	vgt.s32 v21, v1;
	v30 =	vsel vm11, $0x3F800000, v0;
	v16 =	vsel vm1, $0x3F800000, v0;
	v20 =	vpop (erf)  }
0x48: {  	v15 =	vadd.f32 v63, v60;
	v9 =	vsub.f32 $1.000000000e+00, v20;
	v23 =	vpop (erf);
	v22 =	vmul.f32 $2.500000000e-01, v6  }
0x49: {  	v38 =	vsel vm12, $0x3F800000, v0;
	v44 =	vsel vm13, $0x3F800000, v0;
	v12 =	vsub.f32 $1.000000000e+00, v23  }
0x4a: {  	v17 =	vadd.f32 v16, v15;
	v16 =	vpop (erf);
	v27 =	vmul.f32 $2.500000000e-01, v9;
	v6 =	vmul.f32 v22, v6  }
0x4b: {  	v18 =	vsel vm7, $0x3F800000, v0;
	v16 =	vsub.f32 $1.000000000e+00, v16;
	v28 =	vmul.f32 $2.500000000e-01, v12  }
0x4c: {  	vm0 =	vgt.s32 v24, v1;
	v29 =	vmul.f32 v27, v9;
	v6 =	vmul.f32 v6, v8  }
0x4d: {  	v34 =	vsel vm0, $0x3F800000, v0;
	v7 =	vadd.f32 v18, v17;
	v31 =	vmul.f32 $2.500000000e-01, v16  }
0x4e: {  	v33 =	vmul.f32 v28, v12;
	v32 =	vmul.f32 v29, v4;
	v6 =	vnsel vm11, $0x0, v6  }
0x4f: {  	v35 =	vadd.f32 v30, v7;
	v37 =	vmul.f32 v31, v16;
	v5 =	vadd.f32 v6, v5  }
0x50: {  	v36 =	vmul.f32 v33, v2;
	v4 =	vnsel vm0, $0x0, v32;
	v6 =	vunpack.c.l.s4.s8 v41  }
0x51: {  	v1 =	vunpack.c.0.s8.s32 v43;
	v39 =	vadd.f32 v34, v35;
	v4 =	vadd.f32 v4, v5  }
0x52: {  	v40 =	vmul.f32 v37, v3;
	v2 =	vnsel vm12, $0x0, v36;
	v45 =	vunpack.c.0.s8.s32 v6  }
0x53: {  	v7 =	vunpack.c.l.s4.s8 v47;
	v5 =	vadd.f32 v38, v39;
	v2 =	vadd.f32 v2, v4  }
0x54: {  	v3 =	vnsel vm13, $0x0, v40;
	v6 =	vunpack.c.l.s4.s8 v46;
	v4 =	vand.u32 $0xF, v45  }
0x55: {  	v0 =	vadd.f32 v44, v5;
	v1 =	vcombine.low v4, v1;
	v2 =	vadd.f32 v3, v2  }
0x56: {  	v52 =	vimm.s32 $0x54761032;
	v49 =	vunpack.c.0.s8.s32 v7;
	v48 =	vunpack.c.0.s8.s32 v6  }
0x57: {  	v53 =	vunpack.c.l.s4.s8 v52;
	v50 =	vperm.xlane v2, v1;
	v1 =	vperm.xlane v0, v1  }
0x58: {  	v4 =	vunpack.c.l.s4.s8 v51;
	v3 =	vcombine.low v49, v48  }
0x59: {  	v55 =	vimm.s32 $0xEFCDAB89;
	v5 =	vunpack.c.0.s8.s32 v53;
	v0 =	vadd.f32 v1, v0  }
0x5a: {  	v4 =	vunpack.c.0.s8.s32 v4;
	v54 =	vand.u32 $0xF, v3;
	v2 =	vadd.f32 v50, v2  }
0x5b: {  	v56 =	vimm.s32 $0x67452301;
	v57 =	vunpack.c.l.s4.s8 v55;
	v1 =	vperm.xlane v0, v54  }
0x5c: {  	v58 =	vunpack.c.l.s4.s8 v56;
	v4 =	vcombine.low v5, v4;
	v3 =	vperm.xlane v2, v54  }
0x5d: {  	v60 =	vunpack.c.0.s8.s32 v57;
	v0 =	vadd.f32 v1, v0  }
0x5e: {  	v61 =	vunpack.c.0.s8.s32 v58;
	v59 =	vand.u32 $0xF, v4;
	v2 =	vadd.f32 v3, v2  }
0x5f: {  	v62 =	vperm.xlane v0, v59  }
0x60: {  	v3 =	vcombine.low v61, v60;
	v1 =	vperm.xlane v2, v59  }
0x61: {  	v0 =	vadd.f32 v62, v0  }
0x62: {  	v63 =	vand.u32 $0xF, v3;
	v1 =	vadd.f32 v1, v2  }
0x63: {  	v3 =	vperm.xlane v0, v63  }
0x64: {  	v2 =	vperm.xlane v1, v63  }
0x65: {  	v0 =	vadd.f32 v3, v0  }
0x66: {  	vm14 =	vcmask $0x3F08;
	v1 =	vadd.f32 v2, v1  }
0x67: {  	vm15 =	vmmov $0x1;
	v0 =	vsel vm14, $0x0, v0  }
0x68: {  	s3 =	sshll.u32 s1, $0x4;
	s30 =	simm.s32 $0x0;
	v0 =	vsel vm15, v1, v0  }
0x69: {  	s4 =	simm.s32 $0x880;
	s31 =	simm.s32 $0x1;
	s2 =	sadd.s32 s2, s3;
	[tilespmem:$0x880] =	vst v0  }
0x6a: {  	[hbm4b:s2+s30] =	stream.linear.scatter [tilespmem:s4], [sflag:$0x1], $0x80, $0x38;
	[tilespmem:$0x900] =	vst v63  }
0x6b: {  	_ =	swait.ge [sflag:s31], $0x80  }
0x6c: {  	[sflag:s31] =	ssyncset.done $0x0  }
0x6d: {  	[sflag:s31] =	ssyncadd.s32 $0xFFFFFF80  }
0x6e: {  	_ =	sfence.sel $0x180000  }
0x6f: {  	[bflag:$0x0] =	sbarrier.arrive $0xFFFF  }
0x70: {  	p0 =	sne.s32 s1, $0x0;
	_ =	strace $0x90000047  }
0x71: {  	s0 =	sadd.s32 @!p0 $0x100000, s0;
	[bflag:$0x2] =	sbarrier.arrive $0xFFFF  }
0x72: {  	[sflag:s0] =	ssyncadd.tile.s32 @!p0 $0x1;
	_ =	shalt  }
.Lfunc_end2:
_tile_overlayer_lowered:
.L_overlay_start_2:
0x73: {  	(tag) =	ssettag $0x2  }
0x74: {  	s0 =	rddreg [dreg:$0x0];
	s2 =	stileid.u32  }
0x75: {  	s1 =	rddreg [dreg:$0x1];
	p0 =	sne.s32 s2, $0x0  }
0x76: {  	s3 =	rddreg [dreg:$0x2];
	[bflag:$0x3] =	sbarrier.arrive $0xFFFF;
	s2 =	simm.s32 @!p0 $0x1C01  }
0x77: {  	[timem:s3], [sflag:s2] =	dma.local @!p0 [hbm:s0], s1  }
0x78: {  	s0 =	simm.s32 @!p0 $0x1  }
0x79: {  	_ =	swait.ge @!p0 [sflag:s0], s1  }
0x7a: {  	s1 =	ssub.s32 @!p0 $0x0, s1;
	[sflag:s0] =	ssyncset.done @!p0 $0x0  }
0x7b: {  	[sflag:s0] =	ssyncadd.s32 @!p0 s1  }
0x7c: {  	[bflag:$0x3] =	sbarrier.arrive $0xFFFF  }
0x7d: {  	_ =	shalt  }

</sc_bundles>
